<compile_context>
chip_gen: v7x
topology: tpu7x:2x2x1
jax: 0.10.2.dev20260603
libtpu: 0.0.44.dev20260713+nightly
codegen_flags: <defaults>
</compile_context>

<pallas_src>
import functools
import math

import jax
import jax.numpy as jnp
from jax import lax
from jax.experimental import pallas as pl
from jax.experimental.pallas import tpu as pltpu
from jax.experimental.pallas import tpu_sc as plsc

_B = 256
_S = 1000
_V = 655
_D = 1024
_NCH = 6
_NC, _NS, _L = 2, 16, 16
_NW = _NC * _NS
_RW = _B // _NW
_FULL = _S // _L
_TAIL = _S - _FULL * _L
_CNT = _NCH * _RW * 128
_ZC = _CNT // _L
_BATCH = 8
_JIN = _FULL // _BATCH
_REM = _FULL - _JIN * _BATCH


def _hist_body(tok_hbm, out_hbm, tok_v, cnt_v, sem, osem):
    wid = lax.axis_index("s") * _NC + lax.axis_index("c")
    cp = pltpu.make_async_copy(
        tok_hbm.at[pl.ds(_RW * wid, _RW)], tok_v, sem)
    cp.start()
    zeros = jnp.zeros((_L,), jnp.float32)
    ones = jnp.ones((_L,), jnp.float32)

    def _zero(k, _):
        cnt_v[pl.ds(k * _L, _L)] = zeros
        return None

    lax.fori_loop(0, _ZC, _zero, None, unroll=4)
    cp.wait()

    tail_mask = lax.iota(jnp.int32, _L) >= _L - _TAIL

    def _row(r, _):
        rbase = jnp.broadcast_to(r * 128, (_L,)).astype(jnp.int32)

        def _scat(j, _, r=r, rbase=rbase):
            ts = [tok_v[r, pl.ds(j * _BATCH * _L + s * _L, _L)]
                  for s in range(_BATCH)]
            idxs = [t + (t >> 7) * 896 + rbase for t in ts]
            for idx in idxs:
                plsc.addupdate_scatter(cnt_v, [idx], ones)
            return None

        lax.fori_loop(0, _JIN, _scat, None)
        ts = [tok_v[r, pl.ds((_JIN * _BATCH + s) * _L, _L)]
              for s in range(_REM)]
        ts.append(tok_v[r, pl.ds(_S - _L, _L)])
        idxs = [t + (t >> 7) * 896 + rbase for t in ts]
        for s in range(_REM):
            plsc.addupdate_scatter(cnt_v, [idxs[s]], ones)
        plsc.addupdate_scatter(cnt_v, [idxs[_REM]], ones, mask=tail_mask)
        return None

    lax.fori_loop(0, _RW, _row, None)

    ocps = [
        pltpu.make_async_copy(
            cnt_v.at[pl.ds(ch * _RW * 128, _RW * 128)],
            out_hbm.at[pl.ds((ch * _B + _RW * wid) * 128, _RW * 128)],
            osem)
        for ch in range(_NCH)
    ]
    for cp2 in ocps:
        cp2.start()
    for cp2 in ocps:
        cp2.wait()


@functools.partial(
    pl.kernel,
    mesh=plsc.VectorSubcoreMesh(core_axis_name="c", subcore_axis_name="s"),
    out_type=jax.ShapeDtypeStruct((_NCH * _B * 128,), jnp.float32),
    scratch_types=[
        pltpu.VMEM((_RW, _S), jnp.int32),
        pltpu.VMEM((_CNT,), jnp.float32),
        pltpu.SemaphoreType.DMA,
        pltpu.SemaphoreType.DMA,
    ],
    compiler_params=pltpu.CompilerParams(needs_layout_passes=False),
)
def _histogram(tok_hbm, out_hbm, tok_v, cnt_v, sem, osem):
    _hist_body(tok_hbm, out_hbm, tok_v, cnt_v, sem, osem)


_INV_SQRT2 = 1.0 / math.sqrt(2.0)


def _gelu(x):
    return x * 0.5 * (1.0 + lax.erf(x * _INV_SQRT2))


def _prep_body(tbl_ref, wp_ref, out_ref):
    out_ref[...] = lax.dot(tbl_ref[...], wp_ref[...],
                           preferred_element_type=jnp.float32)


def _dense_body(cnt_ref, t2_ref, bp_ref, g_ref, be_ref,
                wm_ref, bm_ref, wf_ref, bf_ref, out_ref):
    pooled = lax.dot(cnt_ref[5 * _B:6 * _B, :_V - 5 * 128],
                     t2_ref[5 * 128:_V, :], preferred_element_type=jnp.float32)
    for c in range(5):
        pooled += lax.dot(cnt_ref[c * _B:(c + 1) * _B, :],
                          t2_ref[c * 128:(c + 1) * 128, :],
                          preferred_element_type=jnp.float32)
    h = pooled * (1.0 / _S) + bp_ref[...][None, :]
    mu = jnp.mean(h, axis=-1, keepdims=True)
    d = h - mu
    var = jnp.mean(d * d, axis=-1, keepdims=True)
    x = d * lax.rsqrt(var + 1e-5) * g_ref[...][None, :] + be_ref[...][None, :]
    x = lax.dot(x, wm_ref[...], preferred_element_type=jnp.float32) + bm_ref[...][None, :]
    x = _gelu(x)
    x = lax.dot(x, wf_ref[...], preferred_element_type=jnp.float32) + bf_ref[...][None, :]
    out_ref[...] = _gelu(x)


def kernel(tokens, table, W_pool, b_pool, gamma, beta, W_mlp, b_mlp, W_fc1, b_fc1):
    tokens = tokens.astype(jnp.int32)
    t2 = pl.pallas_call(
        _prep_body,
        out_shape=jax.ShapeDtypeStruct((_V, _D), jnp.float32),
    )(table, W_pool)
    counts = _histogram(tokens).reshape(_NCH * _B, 128)
    out = pl.pallas_call(
        _dense_body,
        out_shape=jax.ShapeDtypeStruct((_B, 768), jnp.float32),
    )(counts, t2, b_pool, gamma, beta, W_mlp, b_mlp, W_fc1, b_fc1)
    return out

# --- scband reference (transcript-rebuilt; emitter-appended) ---
"""Pipeline reference for scband-melody-13099650252849 (READ-ONLY COPY).

The authoritative reference and input builder live on the scoring server;
editing this copy changes nothing except your own understanding.
"""

import jax, jax.numpy as jnp
import numpy as np


def setup_inputs(seed: int = 0) -> dict:
    key = jax.random.key(seed)
    ks = jax.random.split(key, 8)
    tokens = jax.random.randint(ks[0], (256, 1000), 0, 655)
    table = jax.random.normal(ks[1], (655, 1024), dtype=jnp.float32) * 0.02
    W_pool = jax.random.normal(ks[2], (1024, 1024), dtype=jnp.float32) * 0.02
    b_pool = jnp.zeros((1024,), dtype=jnp.float32)
    gamma = jnp.ones((1024,), dtype=jnp.float32)
    beta = jnp.zeros((1024,), dtype=jnp.float32)
    W_mlp = jax.random.normal(ks[3], (1024, 768), dtype=jnp.float32) * 0.02
    b_mlp = jnp.zeros((768,), dtype=jnp.float32)
    W_fc1 = jax.random.normal(ks[4], (768, 768), dtype=jnp.float32) * 0.02
    b_fc1 = jnp.zeros((768,), dtype=jnp.float32)
    return {
        "tokens": tokens,
        "table": table,
        "W_pool": W_pool,
        "b_pool": b_pool,
        "gamma": gamma,
        "beta": beta,
        "W_mlp": W_mlp,
        "b_mlp": b_mlp,
        "W_fc1": W_fc1,
        "b_fc1": b_fc1,
    }


def reference(tokens, table, W_pool, b_pool, gamma, beta, W_mlp, b_mlp, W_fc1, b_fc1):
    # Embedding lookup: nn.Embedding(655, 1024) gather over padded token grid [B, 1000]
    emb = jnp.take(table, tokens, axis=0)  # [B, 1000, 1024]
    # MelodyPooler: mean over sequence dim then dense 1024->1024
    pooled = jnp.mean(emb, axis=1)  # [B, 1024]
    pooled = pooled @ W_pool + b_pool
    # LayerNorm(1024, eps=1e-5)
    mu = jnp.mean(pooled, axis=-1, keepdims=True)
    var = jnp.var(pooled, axis=-1, keepdims=True)
    x = (pooled - mu) / jnp.sqrt(var + 1e-5) * gamma + beta
    # mlp_1024_to_768 -> GELU (exact) -> fc1 -> GELU (exact)
    x = x @ W_mlp + b_mlp
    x = jax.nn.gelu(x, approximate=False)
    x = x @ W_fc1 + b_fc1
    x = jax.nn.gelu(x, approximate=False)
    return x

if __name__ == "__main__":
    import jax
    _d = setup_inputs()
    print(jax.jit(kernel)(*tuple(_d.values())))

</pallas_src>

<mosaic_0001>
#map = affine_map<(d0, d1) -> (0, 0)>
#map1 = affine_map<(d0, d1) -> (0)>
module attributes {stable_mosaic.version = 14 : i64} {
  func.func @_histogram(%arg0: i32, %arg1: i32, %arg2: memref<256x1000xi32, #tpu.memory_space<hbm>>, %arg3: memref<196608xf32, #tpu.memory_space<hbm>>, %arg4: memref<8x1000xi32, #tpu.memory_space<vmem>>, %arg5: memref<6144xf32, #tpu.memory_space<vmem>>, %arg6: memref<!tpu.dma_semaphore, #tpu.memory_space<semaphore_mem>>, %arg7: memref<!tpu.dma_semaphore, #tpu.memory_space<semaphore_mem>>) attributes {dimension_semantics = [#tpu.dimension_semantics<core_parallel>, #tpu.dimension_semantics<subcore_parallel>], iteration_bounds = array<i64: 2, 16>, scalar_prefetch = 0 : i64, scratch_operands = 4 : i64, tpu.core_type = #tpu.core_type<sc_vector_subcore>, window_params = [{transform_indices = #map}, {transform_indices = #map1}]} {
    %mul3A = arith.constant 2 : i32
    %mul3A_0 = arith.muli %arg1, %mul3A : i32
    %add3A = arith.addi %mul3A_0, %arg0 : i32
    %mul3A_1 = arith.constant 8 : i32
    %mul3A_2 = arith.muli %mul3A_1, %add3A : i32
    %dma_start3A = arith.constant 0 : i32
    %dma_start3A_3 = tpu.memref_slice %arg2[%mul3A_2, %dma_start3A] : memref<256x1000xi32, #tpu.memory_space<hbm>> -> memref<8x1000xi32, #tpu.memory_space<hbm>>
    %dma_start3A_4 = arith.constant 0 : i32
    %dma_start3A_5 = tpu.memref_slice %arg2[%mul3A_2, %dma_start3A_4] : memref<256x1000xi32, #tpu.memory_space<hbm>> -> memref<8x1000xi32, #tpu.memory_space<hbm>>
    tpu.enqueue_dma source(%dma_start3A_5 : memref<8x1000xi32, #tpu.memory_space<hbm>>) target(%arg4 : memref<8x1000xi32, #tpu.memory_space<vmem>>) target_semaphore(%arg6 : memref<!tpu.dma_semaphore, #tpu.memory_space<semaphore_mem>>)
    %broadcast_in_dim3A = arith.constant 0.000000e+00 : f32
    %broadcast_in_dim3A_6 = vector.broadcast %broadcast_in_dim3A : f32 to vector<16xf32>
    %broadcast_in_dim3A_7 = arith.constant 1.000000e+00 : f32
    %broadcast_in_dim3A_8 = vector.broadcast %broadcast_in_dim3A_7 : f32 to vector<16xf32>
    %scan3A = arith.constant 0 : i32
    %scan3A_9 = arith.constant 384 : i32
    %scan3A_10 = arith.addi %scan3A, %scan3A_9 : i32
    %scan3A_11 = arith.constant 4 : i32
    scf.for %scan3A_131 = %scan3A to %scan3A_10 step %scan3A_11  : i32 {
      %mul3A_132 = arith.constant 16 : i32
      %mul3A_133 = arith.muli %scan3A_131, %mul3A_132 : i32
      %swap3A = arith.index_cast %mul3A_133 : i32 to index
      %swap3A_134 = tpu.vector_load %arg5[%swap3A] {strides = array<i32>} : memref<6144xf32, #tpu.memory_space<vmem>>, vector<16xf32>,
      tpu.vector_store %arg5[%swap3A], %broadcast_in_dim3A_6 {strides = array<i32>} : memref<6144xf32, #tpu.memory_space<vmem>>, vector<16xf32>,
      %scan3A_135 = arith.constant 1 : i32
      %scan3A_136 = arith.addi %scan3A_131, %scan3A_135 : i32
      %mul3A_137 = arith.constant 16 : i32
      %mul3A_138 = arith.muli %scan3A_136, %mul3A_137 : i32
      %swap3A_139 = arith.index_cast %mul3A_138 : i32 to index
      %swap3A_140 = tpu.vector_load %arg5[%swap3A_139] {strides = array<i32>} : memref<6144xf32, #tpu.memory_space<vmem>>, vector<16xf32>,
      tpu.vector_store %arg5[%swap3A_139], %broadcast_in_dim3A_6 {strides = array<i32>} : memref<6144xf32, #tpu.memory_space<vmem>>, vector<16xf32>,
      %scan3A_141 = arith.constant 2 : i32
      %scan3A_142 = arith.addi %scan3A_131, %scan3A_141 : i32
      %mul3A_143 = arith.constant 16 : i32
      %mul3A_144 = arith.muli %scan3A_142, %mul3A_143 : i32
      %swap3A_145 = arith.index_cast %mul3A_144 : i32 to index
      %swap3A_146 = tpu.vector_load %arg5[%swap3A_145] {strides = array<i32>} : memref<6144xf32, #tpu.memory_space<vmem>>, vector<16xf32>,
      tpu.vector_store %arg5[%swap3A_145], %broadcast_in_dim3A_6 {strides = array<i32>} : memref<6144xf32, #tpu.memory_space<vmem>>, vector<16xf32>,
      %scan3A_147 = arith.constant 3 : i32
      %scan3A_148 = arith.addi %scan3A_131, %scan3A_147 : i32
      %mul3A_149 = arith.constant 16 : i32
      %mul3A_150 = arith.muli %scan3A_148, %mul3A_149 : i32
      %swap3A_151 = arith.index_cast %mul3A_150 : i32 to index
      %swap3A_152 = tpu.vector_load %arg5[%swap3A_151] {strides = array<i32>} : memref<6144xf32, #tpu.memory_space<vmem>>, vector<16xf32>,
      tpu.vector_store %arg5[%swap3A_151], %broadcast_in_dim3A_6 {strides = array<i32>} : memref<6144xf32, #tpu.memory_space<vmem>>, vector<16xf32>,
    }
    %scan3A_12 = arith.constant 384 : i32
    %dma_wait3A = arith.constant 0 : i32
    %dma_wait3A_13 = tpu.memref_slice %arg2[%mul3A_2, %dma_wait3A] : memref<256x1000xi32, #tpu.memory_space<hbm>> -> memref<8x1000xi32, #tpu.memory_space<hbm>>
    %dma_wait3A_14 = arith.constant 0 : i32
    %dma_wait3A_15 = tpu.memref_slice %arg2[%mul3A_2, %dma_wait3A_14] : memref<256x1000xi32, #tpu.memory_space<hbm>> -> memref<8x1000xi32, #tpu.memory_space<hbm>>
    tpu.wait_dma2 semaphore(%arg6 : memref<!tpu.dma_semaphore, #tpu.memory_space<semaphore_mem>>) src(%dma_wait3A_15 : memref<8x1000xi32, #tpu.memory_space<hbm>>) dst(%arg4 : memref<8x1000xi32, #tpu.memory_space<vmem>>)
    %iota3A = tpu.iota {dimensions = array<i32: 0>} : vector<16xi32>
    %ge3A = arith.constant 8 : i32
    %ge3A_16 = vector.broadcast %ge3A : i32 to vector<16xi32>
    %ge3A_17 = arith.cmpi sge, %iota3A, %ge3A_16 : vector<16xi32>
    %scan3A_18 = arith.constant 0 : i32
    %scan3A_19 = arith.constant 8 : i32
    %scan3A_20 = arith.addi %scan3A_18, %scan3A_19 : i32
    %scan3A_21 = arith.constant 1 : i32
    scf.for %scan3A_131 = %scan3A_18 to %scan3A_20 step %scan3A_21  : i32 {
      %mul3A_132 = arith.constant 128 : i32
      %mul3A_133 = arith.muli %scan3A_131, %mul3A_132 : i32
      %broadcast_in_dim3A_134 = vector.broadcast %mul3A_133 : i32 to vector<16xi32>
      %scan3A_135 = arith.constant 0 : i32
      %scan3A_136 = arith.constant 7 : i32
      %scan3A_137 = arith.addi %scan3A_135, %scan3A_136 : i32
      %scan3A_138 = arith.constant 1 : i32
      scf.for %scan3A_215 = %scan3A_135 to %scan3A_137 step %scan3A_138  : i32 {
        %mul3A_216 = arith.constant 8 : i32
        %mul3A_217 = arith.muli %scan3A_215, %mul3A_216 : i32
        %mul3A_218 = arith.constant 16 : i32
        %mul3A_219 = arith.muli %mul3A_217, %mul3A_218 : i32
        %add3A_220 = arith.constant 0 : i32
        %add3A_221 = arith.addi %mul3A_219, %add3A_220 : i32
        %get3A_222 = arith.index_cast %scan3A_131 : i32 to index
        %get3A_223 = arith.index_cast %add3A_221 : i32 to index
        %get3A_224 = tpu.vector_load %arg4[%get3A_222, %get3A_223] {strides = array<i32>} : memref<8x1000xi32, #tpu.memory_space<vmem>>, vector<16xi32>,
        %mul3A_225 = arith.constant 8 : i32
        %mul3A_226 = arith.muli %scan3A_215, %mul3A_225 : i32
        %mul3A_227 = arith.constant 16 : i32
        %mul3A_228 = arith.muli %mul3A_226, %mul3A_227 : i32
        %add3A_229 = arith.constant 16 : i32
        %add3A_230 = arith.addi %mul3A_228, %add3A_229 : i32
        %get3A_231 = arith.index_cast %scan3A_131 : i32 to index
        %get3A_232 = arith.index_cast %add3A_230 : i32 to index
        %get3A_233 = tpu.vector_load %arg4[%get3A_231, %get3A_232] {strides = array<i32>} : memref<8x1000xi32, #tpu.memory_space<vmem>>, vector<16xi32>,
        %mul3A_234 = arith.constant 8 : i32
        %mul3A_235 = arith.muli %scan3A_215, %mul3A_234 : i32
        %mul3A_236 = arith.constant 16 : i32
        %mul3A_237 = arith.muli %mul3A_235, %mul3A_236 : i32
        %add3A_238 = arith.constant 32 : i32
        %add3A_239 = arith.addi %mul3A_237, %add3A_238 : i32
        %get3A_240 = arith.index_cast %scan3A_131 : i32 to index
        %get3A_241 = arith.index_cast %add3A_239 : i32 to index
        %get3A_242 = tpu.vector_load %arg4[%get3A_240, %get3A_241] {strides = array<i32>} : memref<8x1000xi32, #tpu.memory_space<vmem>>, vector<16xi32>,
        %mul3A_243 = arith.constant 8 : i32
        %mul3A_244 = arith.muli %scan3A_215, %mul3A_243 : i32
        %mul3A_245 = arith.constant 16 : i32
        %mul3A_246 = arith.muli %mul3A_244, %mul3A_245 : i32
        %add3A_247 = arith.constant 48 : i32
        %add3A_248 = arith.addi %mul3A_246, %add3A_247 : i32
        %get3A_249 = arith.index_cast %scan3A_131 : i32 to index
        %get3A_250 = arith.index_cast %add3A_248 : i32 to index
        %get3A_251 = tpu.vector_load %arg4[%get3A_249, %get3A_250] {strides = array<i32>} : memref<8x1000xi32, #tpu.memory_space<vmem>>, vector<16xi32>,
        %mul3A_252 = arith.constant 8 : i32
        %mul3A_253 = arith.muli %scan3A_215, %mul3A_252 : i32
        %mul3A_254 = arith.constant 16 : i32
        %mul3A_255 = arith.muli %mul3A_253, %mul3A_254 : i32
        %add3A_256 = arith.constant 64 : i32
        %add3A_257 = arith.addi %mul3A_255, %add3A_256 : i32
        %get3A_258 = arith.index_cast %scan3A_131 : i32 to index
        %get3A_259 = arith.index_cast %add3A_257 : i32 to index
        %get3A_260 = tpu.vector_load %arg4[%get3A_258, %get3A_259] {strides = array<i32>} : memref<8x1000xi32, #tpu.memory_space<vmem>>, vector<16xi32>,
        %mul3A_261 = arith.constant 8 : i32
        %mul3A_262 = arith.muli %scan3A_215, %mul3A_261 : i32
        %mul3A_263 = arith.constant 16 : i32
        %mul3A_264 = arith.muli %mul3A_262, %mul3A_263 : i32
        %add3A_265 = arith.constant 80 : i32
        %add3A_266 = arith.addi %mul3A_264, %add3A_265 : i32
        %get3A_267 = arith.index_cast %scan3A_131 : i32 to index
        %get3A_268 = arith.index_cast %add3A_266 : i32 to index
        %get3A_269 = tpu.vector_load %arg4[%get3A_267, %get3A_268] {strides = array<i32>} : memref<8x1000xi32, #tpu.memory_space<vmem>>, vector<16xi32>,
        %mul3A_270 = arith.constant 8 : i32
        %mul3A_271 = arith.muli %scan3A_215, %mul3A_270 : i32
        %mul3A_272 = arith.constant 16 : i32
        %mul3A_273 = arith.muli %mul3A_271, %mul3A_272 : i32
        %add3A_274 = arith.constant 96 : i32
        %add3A_275 = arith.addi %mul3A_273, %add3A_274 : i32
        %get3A_276 = arith.index_cast %scan3A_131 : i32 to index
        %get3A_277 = arith.index_cast %add3A_275 : i32 to index
        %get3A_278 = tpu.vector_load %arg4[%get3A_276, %get3A_277] {strides = array<i32>} : memref<8x1000xi32, #tpu.memory_space<vmem>>, vector<16xi32>,
        %mul3A_279 = arith.constant 8 : i32
        %mul3A_280 = arith.muli %scan3A_215, %mul3A_279 : i32
        %mul3A_281 = arith.constant 16 : i32
        %mul3A_282 = arith.muli %mul3A_280, %mul3A_281 : i32
        %add3A_283 = arith.constant 112 : i32
        %add3A_284 = arith.addi %mul3A_282, %add3A_283 : i32
        %get3A_285 = arith.index_cast %scan3A_131 : i32 to index
        %get3A_286 = arith.index_cast %add3A_284 : i32 to index
        %get3A_287 = tpu.vector_load %arg4[%get3A_285, %get3A_286] {strides = array<i32>} : memref<8x1000xi32, #tpu.memory_space<vmem>>, vector<16xi32>,
        %shift_right_arithmetic3A_288 = arith.constant 7 : i32
        %shift_right_arithmetic3A_289 = vector.broadcast %shift_right_arithmetic3A_288 : i32 to vector<16xi32>
        %shift_right_arithmetic3A_290 = arith.shrsi %get3A_224, %shift_right_arithmetic3A_289 : vector<16xi32>
        %mul3A_291 = arith.constant 896 : i32
        %mul3A_292 = vector.broadcast %mul3A_291 : i32 to vector<16xi32>
        %mul3A_293 = arith.muli %shift_right_arithmetic3A_290, %mul3A_292 : vector<16xi32>
        %add3A_294 = arith.addi %get3A_224, %mul3A_293 : vector<16xi32>
        %add3A_295 = arith.addi %add3A_294, %broadcast_in_dim3A_134 : vector<16xi32>
        %shift_right_arithmetic3A_296 = arith.constant 7 : i32
        %shift_right_arithmetic3A_297 = vector.broadcast %shift_right_arithmetic3A_296 : i32 to vector<16xi32>
        %shift_right_arithmetic3A_298 = arith.shrsi %get3A_233, %shift_right_arithmetic3A_297 : vector<16xi32>
        %mul3A_299 = arith.constant 896 : i32
        %mul3A_300 = vector.broadcast %mul3A_299 : i32 to vector<16xi32>
        %mul3A_301 = arith.muli %shift_right_arithmetic3A_298, %mul3A_300 : vector<16xi32>
        %add3A_302 = arith.addi %get3A_233, %mul3A_301 : vector<16xi32>
        %add3A_303 = arith.addi %add3A_302, %broadcast_in_dim3A_134 : vector<16xi32>
        %shift_right_arithmetic3A_304 = arith.constant 7 : i32
        %shift_right_arithmetic3A_305 = vector.broadcast %shift_right_arithmetic3A_304 : i32 to vector<16xi32>
        %shift_right_arithmetic3A_306 = arith.shrsi %get3A_242, %shift_right_arithmetic3A_305 : vector<16xi32>
        %mul3A_307 = arith.constant 896 : i32
        %mul3A_308 = vector.broadcast %mul3A_307 : i32 to vector<16xi32>
        %mul3A_309 = arith.muli %shift_right_arithmetic3A_306, %mul3A_308 : vector<16xi32>
        %add3A_310 = arith.addi %get3A_242, %mul3A_309 : vector<16xi32>
        %add3A_311 = arith.addi %add3A_310, %broadcast_in_dim3A_134 : vector<16xi32>
        %shift_right_arithmetic3A_312 = arith.constant 7 : i32
        %shift_right_arithmetic3A_313 = vector.broadcast %shift_right_arithmetic3A_312 : i32 to vector<16xi32>
        %shift_right_arithmetic3A_314 = arith.shrsi %get3A_251, %shift_right_arithmetic3A_313 : vector<16xi32>
        %mul3A_315 = arith.constant 896 : i32
        %mul3A_316 = vector.broadcast %mul3A_315 : i32 to vector<16xi32>
        %mul3A_317 = arith.muli %shift_right_arithmetic3A_314, %mul3A_316 : vector<16xi32>
        %add3A_318 = arith.addi %get3A_251, %mul3A_317 : vector<16xi32>
        %add3A_319 = arith.addi %add3A_318, %broadcast_in_dim3A_134 : vector<16xi32>
        %shift_right_arithmetic3A_320 = arith.constant 7 : i32
        %shift_right_arithmetic3A_321 = vector.broadcast %shift_right_arithmetic3A_320 : i32 to vector<16xi32>
        %shift_right_arithmetic3A_322 = arith.shrsi %get3A_260, %shift_right_arithmetic3A_321 : vector<16xi32>
        %mul3A_323 = arith.constant 896 : i32
        %mul3A_324 = vector.broadcast %mul3A_323 : i32 to vector<16xi32>
        %mul3A_325 = arith.muli %shift_right_arithmetic3A_322, %mul3A_324 : vector<16xi32>
        %add3A_326 = arith.addi %get3A_260, %mul3A_325 : vector<16xi32>
        %add3A_327 = arith.addi %add3A_326, %broadcast_in_dim3A_134 : vector<16xi32>
        %shift_right_arithmetic3A_328 = arith.constant 7 : i32
        %shift_right_arithmetic3A_329 = vector.broadcast %shift_right_arithmetic3A_328 : i32 to vector<16xi32>
        %shift_right_arithmetic3A_330 = arith.shrsi %get3A_269, %shift_right_arithmetic3A_329 : vector<16xi32>
        %mul3A_331 = arith.constant 896 : i32
        %mul3A_332 = vector.broadcast %mul3A_331 : i32 to vector<16xi32>
        %mul3A_333 = arith.muli %shift_right_arithmetic3A_330, %mul3A_332 : vector<16xi32>
        %add3A_334 = arith.addi %get3A_269, %mul3A_333 : vector<16xi32>
        %add3A_335 = arith.addi %add3A_334, %broadcast_in_dim3A_134 : vector<16xi32>
        %shift_right_arithmetic3A_336 = arith.constant 7 : i32
        %shift_right_arithmetic3A_337 = vector.broadcast %shift_right_arithmetic3A_336 : i32 to vector<16xi32>
        %shift_right_arithmetic3A_338 = arith.shrsi %get3A_278, %shift_right_arithmetic3A_337 : vector<16xi32>
        %mul3A_339 = arith.constant 896 : i32
        %mul3A_340 = vector.broadcast %mul3A_339 : i32 to vector<16xi32>
        %mul3A_341 = arith.muli %shift_right_arithmetic3A_338, %mul3A_340 : vector<16xi32>
        %add3A_342 = arith.addi %get3A_278, %mul3A_341 : vector<16xi32>
        %add3A_343 = arith.addi %add3A_342, %broadcast_in_dim3A_134 : vector<16xi32>
        %shift_right_arithmetic3A_344 = arith.constant 7 : i32
        %shift_right_arithmetic3A_345 = vector.broadcast %shift_right_arithmetic3A_344 : i32 to vector<16xi32>
        %shift_right_arithmetic3A_346 = arith.shrsi %get3A_287, %shift_right_arithmetic3A_345 : vector<16xi32>
        %mul3A_347 = arith.constant 896 : i32
        %mul3A_348 = vector.broadcast %mul3A_347 : i32 to vector<16xi32>
        %mul3A_349 = arith.muli %shift_right_arithmetic3A_346, %mul3A_348 : vector<16xi32>
        %add3A_350 = arith.addi %get3A_287, %mul3A_349 : vector<16xi32>
        %add3A_351 = arith.addi %add3A_350, %broadcast_in_dim3A_134 : vector<16xi32>
        tpu.vector_store_idx %arg5[%add3A_295], %broadcast_in_dim3A_8 {add = true} : memref<6144xf32, #tpu.memory_space<vmem>>[vector<16xi32>], vector<16xf32>,
        tpu.vector_store_idx %arg5[%add3A_303], %broadcast_in_dim3A_8 {add = true} : memref<6144xf32, #tpu.memory_space<vmem>>[vector<16xi32>], vector<16xf32>,
        tpu.vector_store_idx %arg5[%add3A_311], %broadcast_in_dim3A_8 {add = true} : memref<6144xf32, #tpu.memory_space<vmem>>[vector<16xi32>], vector<16xf32>,
        tpu.vector_store_idx %arg5[%add3A_319], %broadcast_in_dim3A_8 {add = true} : memref<6144xf32, #tpu.memory_space<vmem>>[vector<16xi32>], vector<16xf32>,
        tpu.vector_store_idx %arg5[%add3A_327], %broadcast_in_dim3A_8 {add = true} : memref<6144xf32, #tpu.memory_space<vmem>>[vector<16xi32>], vector<16xf32>,
        tpu.vector_store_idx %arg5[%add3A_335], %broadcast_in_dim3A_8 {add = true} : memref<6144xf32, #tpu.memory_space<vmem>>[vector<16xi32>], vector<16xf32>,
        tpu.vector_store_idx %arg5[%add3A_343], %broadcast_in_dim3A_8 {add = true} : memref<6144xf32, #tpu.memory_space<vmem>>[vector<16xi32>], vector<16xf32>,
        tpu.vector_store_idx %arg5[%add3A_351], %broadcast_in_dim3A_8 {add = true} : memref<6144xf32, #tpu.memory_space<vmem>>[vector<16xi32>], vector<16xf32>,
      }
      %scan3A_139 = arith.constant 7 : i32
      %get3A = arith.index_cast %scan3A_131 : i32 to index
      %get3A_140 = arith.constant 896 : index
      %get3A_141 = tpu.vector_load %arg4[%get3A, %get3A_140] {strides = array<i32>} : memref<8x1000xi32, #tpu.memory_space<vmem>>, vector<16xi32>,
      %get3A_142 = arith.index_cast %scan3A_131 : i32 to index
      %get3A_143 = arith.constant 912 : index
      %get3A_144 = tpu.vector_load %arg4[%get3A_142, %get3A_143] {strides = array<i32>} : memref<8x1000xi32, #tpu.memory_space<vmem>>, vector<16xi32>,
      %get3A_145 = arith.index_cast %scan3A_131 : i32 to index
      %get3A_146 = arith.constant 928 : index
      %get3A_147 = tpu.vector_load %arg4[%get3A_145, %get3A_146] {strides = array<i32>} : memref<8x1000xi32, #tpu.memory_space<vmem>>, vector<16xi32>,
      %get3A_148 = arith.index_cast %scan3A_131 : i32 to index
      %get3A_149 = arith.constant 944 : index
      %get3A_150 = tpu.vector_load %arg4[%get3A_148, %get3A_149] {strides = array<i32>} : memref<8x1000xi32, #tpu.memory_space<vmem>>, vector<16xi32>,
      %get3A_151 = arith.index_cast %scan3A_131 : i32 to index
      %get3A_152 = arith.constant 960 : index
      %get3A_153 = tpu.vector_load %arg4[%get3A_151, %get3A_152] {strides = array<i32>} : memref<8x1000xi32, #tpu.memory_space<vmem>>, vector<16xi32>,
      %get3A_154 = arith.index_cast %scan3A_131 : i32 to index
      %get3A_155 = arith.constant 976 : index
      %get3A_156 = tpu.vector_load %arg4[%get3A_154, %get3A_155] {strides = array<i32>} : memref<8x1000xi32, #tpu.memory_space<vmem>>, vector<16xi32>,
      %get3A_157 = arith.index_cast %scan3A_131 : i32 to index
      %get3A_158 = arith.constant 984 : index
      %get3A_159 = tpu.vector_load %arg4[%get3A_157, %get3A_158] {strides = array<i32>} : memref<8x1000xi32, #tpu.memory_space<vmem>>, vector<16xi32>,
      %shift_right_arithmetic3A = arith.constant 7 : i32
      %shift_right_arithmetic3A_160 = vector.broadcast %shift_right_arithmetic3A : i32 to vector<16xi32>
      %shift_right_arithmetic3A_161 = arith.shrsi %get3A_141, %shift_right_arithmetic3A_160 : vector<16xi32>
      %mul3A_162 = arith.constant 896 : i32
      %mul3A_163 = vector.broadcast %mul3A_162 : i32 to vector<16xi32>
      %mul3A_164 = arith.muli %shift_right_arithmetic3A_161, %mul3A_163 : vector<16xi32>
      %add3A_165 = arith.addi %get3A_141, %mul3A_164 : vector<16xi32>
      %add3A_166 = arith.addi %add3A_165, %broadcast_in_dim3A_134 : vector<16xi32>
      %shift_right_arithmetic3A_167 = arith.constant 7 : i32
      %shift_right_arithmetic3A_168 = vector.broadcast %shift_right_arithmetic3A_167 : i32 to vector<16xi32>
      %shift_right_arithmetic3A_169 = arith.shrsi %get3A_144, %shift_right_arithmetic3A_168 : vector<16xi32>
      %mul3A_170 = arith.constant 896 : i32
      %mul3A_171 = vector.broadcast %mul3A_170 : i32 to vector<16xi32>
      %mul3A_172 = arith.muli %shift_right_arithmetic3A_169, %mul3A_171 : vector<16xi32>
      %add3A_173 = arith.addi %get3A_144, %mul3A_172 : vector<16xi32>
      %add3A_174 = arith.addi %add3A_173, %broadcast_in_dim3A_134 : vector<16xi32>
      %shift_right_arithmetic3A_175 = arith.constant 7 : i32
      %shift_right_arithmetic3A_176 = vector.broadcast %shift_right_arithmetic3A_175 : i32 to vector<16xi32>
      %shift_right_arithmetic3A_177 = arith.shrsi %get3A_147, %shift_right_arithmetic3A_176 : vector<16xi32>
      %mul3A_178 = arith.constant 896 : i32
      %mul3A_179 = vector.broadcast %mul3A_178 : i32 to vector<16xi32>
      %mul3A_180 = arith.muli %shift_right_arithmetic3A_177, %mul3A_179 : vector<16xi32>
      %add3A_181 = arith.addi %get3A_147, %mul3A_180 : vector<16xi32>
      %add3A_182 = arith.addi %add3A_181, %broadcast_in_dim3A_134 : vector<16xi32>
      %shift_right_arithmetic3A_183 = arith.constant 7 : i32
      %shift_right_arithmetic3A_184 = vector.broadcast %shift_right_arithmetic3A_183 : i32 to vector<16xi32>
      %shift_right_arithmetic3A_185 = arith.shrsi %get3A_150, %shift_right_arithmetic3A_184 : vector<16xi32>
      %mul3A_186 = arith.constant 896 : i32
      %mul3A_187 = vector.broadcast %mul3A_186 : i32 to vector<16xi32>
      %mul3A_188 = arith.muli %shift_right_arithmetic3A_185, %mul3A_187 : vector<16xi32>
      %add3A_189 = arith.addi %get3A_150, %mul3A_188 : vector<16xi32>
      %add3A_190 = arith.addi %add3A_189, %broadcast_in_dim3A_134 : vector<16xi32>
      %shift_right_arithmetic3A_191 = arith.constant 7 : i32
      %shift_right_arithmetic3A_192 = vector.broadcast %shift_right_arithmetic3A_191 : i32 to vector<16xi32>
      %shift_right_arithmetic3A_193 = arith.shrsi %get3A_153, %shift_right_arithmetic3A_192 : vector<16xi32>
      %mul3A_194 = arith.constant 896 : i32
      %mul3A_195 = vector.broadcast %mul3A_194 : i32 to vector<16xi32>
      %mul3A_196 = arith.muli %shift_right_arithmetic3A_193, %mul3A_195 : vector<16xi32>
      %add3A_197 = arith.addi %get3A_153, %mul3A_196 : vector<16xi32>
      %add3A_198 = arith.addi %add3A_197, %broadcast_in_dim3A_134 : vector<16xi32>
      %shift_right_arithmetic3A_199 = arith.constant 7 : i32
      %shift_right_arithmetic3A_200 = vector.broadcast %shift_right_arithmetic3A_199 : i32 to vector<16xi32>
      %shift_right_arithmetic3A_201 = arith.shrsi %get3A_156, %shift_right_arithmetic3A_200 : vector<16xi32>
      %mul3A_202 = arith.constant 896 : i32
      %mul3A_203 = vector.broadcast %mul3A_202 : i32 to vector<16xi32>
      %mul3A_204 = arith.muli %shift_right_arithmetic3A_201, %mul3A_203 : vector<16xi32>
      %add3A_205 = arith.addi %get3A_156, %mul3A_204 : vector<16xi32>
      %add3A_206 = arith.addi %add3A_205, %broadcast_in_dim3A_134 : vector<16xi32>
      %shift_right_arithmetic3A_207 = arith.constant 7 : i32
      %shift_right_arithmetic3A_208 = vector.broadcast %shift_right_arithmetic3A_207 : i32 to vector<16xi32>
      %shift_right_arithmetic3A_209 = arith.shrsi %get3A_159, %shift_right_arithmetic3A_208 : vector<16xi32>
      %mul3A_210 = arith.constant 896 : i32
      %mul3A_211 = vector.broadcast %mul3A_210 : i32 to vector<16xi32>
      %mul3A_212 = arith.muli %shift_right_arithmetic3A_209, %mul3A_211 : vector<16xi32>
      %add3A_213 = arith.addi %get3A_159, %mul3A_212 : vector<16xi32>
      %add3A_214 = arith.addi %add3A_213, %broadcast_in_dim3A_134 : vector<16xi32>
      tpu.vector_store_idx %arg5[%add3A_166], %broadcast_in_dim3A_8 {add = true} : memref<6144xf32, #tpu.memory_space<vmem>>[vector<16xi32>], vector<16xf32>,
      tpu.vector_store_idx %arg5[%add3A_174], %broadcast_in_dim3A_8 {add = true} : memref<6144xf32, #tpu.memory_space<vmem>>[vector<16xi32>], vector<16xf32>,
      tpu.vector_store_idx %arg5[%add3A_182], %broadcast_in_dim3A_8 {add = true} : memref<6144xf32, #tpu.memory_space<vmem>>[vector<16xi32>], vector<16xf32>,
      tpu.vector_store_idx %arg5[%add3A_190], %broadcast_in_dim3A_8 {add = true} : memref<6144xf32, #tpu.memory_space<vmem>>[vector<16xi32>], vector<16xf32>,
      tpu.vector_store_idx %arg5[%add3A_198], %broadcast_in_dim3A_8 {add = true} : memref<6144xf32, #tpu.memory_space<vmem>>[vector<16xi32>], vector<16xf32>,
      tpu.vector_store_idx %arg5[%add3A_206], %broadcast_in_dim3A_8 {add = true} : memref<6144xf32, #tpu.memory_space<vmem>>[vector<16xi32>], vector<16xf32>,
      tpu.vector_store_idx %arg5[%add3A_214], %broadcast_in_dim3A_8 masked %ge3A_17 {add = true} : memref<6144xf32, #tpu.memory_space<vmem>>[vector<16xi32>], vector<16xf32>, vector<16xi1>
    }
    %scan3A_22 = arith.constant 8 : i32
    %mul3A_23 = arith.constant 8 : i32
    %mul3A_24 = arith.muli %mul3A_23, %add3A : i32
    %add3A_25 = arith.constant 0 : i32
    %add3A_26 = arith.addi %add3A_25, %mul3A_24 : i32
    %mul3A_27 = arith.constant 128 : i32
    %mul3A_28 = arith.muli %add3A_26, %mul3A_27 : i32
    %mul3A_29 = arith.constant 8 : i32
    %mul3A_30 = arith.muli %mul3A_29, %add3A : i32
    %add3A_31 = arith.constant 256 : i32
    %add3A_32 = arith.addi %add3A_31, %mul3A_30 : i32
    %mul3A_33 = arith.constant 128 : i32
    %mul3A_34 = arith.muli %add3A_32, %mul3A_33 : i32
    %mul3A_35 = arith.constant 8 : i32
    %mul3A_36 = arith.muli %mul3A_35, %add3A : i32
    %add3A_37 = arith.constant 512 : i32
    %add3A_38 = arith.addi %add3A_37, %mul3A_36 : i32
    %mul3A_39 = arith.constant 128 : i32
    %mul3A_40 = arith.muli %add3A_38, %mul3A_39 : i32
    %mul3A_41 = arith.constant 8 : i32
    %mul3A_42 = arith.muli %mul3A_41, %add3A : i32
    %add3A_43 = arith.constant 768 : i32
    %add3A_44 = arith.addi %add3A_43, %mul3A_42 : i32
    %mul3A_45 = arith.constant 128 : i32
    %mul3A_46 = arith.muli %add3A_44, %mul3A_45 : i32
    %mul3A_47 = arith.constant 8 : i32
    %mul3A_48 = arith.muli %mul3A_47, %add3A : i32
    %add3A_49 = arith.constant 1024 : i32
    %add3A_50 = arith.addi %add3A_49, %mul3A_48 : i32
    %mul3A_51 = arith.constant 128 : i32
    %mul3A_52 = arith.muli %add3A_50, %mul3A_51 : i32
    %mul3A_53 = arith.constant 8 : i32
    %mul3A_54 = arith.muli %mul3A_53, %add3A : i32
    %add3A_55 = arith.constant 1280 : i32
    %add3A_56 = arith.addi %add3A_55, %mul3A_54 : i32
    %mul3A_57 = arith.constant 128 : i32
    %mul3A_58 = arith.muli %add3A_56, %mul3A_57 : i32
    %dma_start3A_59 = arith.constant 0 : i32
    %dma_start3A_60 = tpu.memref_slice %arg5[%dma_start3A_59] : memref<6144xf32, #tpu.memory_space<vmem>> -> memref<1024xf32, #tpu.memory_space<vmem>>
    %dma_start3A_61 = tpu.memref_slice %arg3[%mul3A_28] : memref<196608xf32, #tpu.memory_space<hbm>> -> memref<1024xf32, #tpu.memory_space<hbm>>
    %dma_start3A_62 = tpu.memref_slice %arg3[%mul3A_28] : memref<196608xf32, #tpu.memory_space<hbm>> -> memref<1024xf32, #tpu.memory_space<hbm>>
    %dma_start3A_63 = arith.constant 0 : i32
    %dma_start3A_64 = tpu.memref_slice %arg5[%dma_start3A_63] : memref<6144xf32, #tpu.memory_space<vmem>> -> memref<1024xf32, #tpu.memory_space<vmem>>
    tpu.enqueue_dma source(%dma_start3A_64 : memref<1024xf32, #tpu.memory_space<vmem>>) target(%dma_start3A_62 : memref<1024xf32, #tpu.memory_space<hbm>>) target_semaphore(%arg7 : memref<!tpu.dma_semaphore, #tpu.memory_space<semaphore_mem>>)
    %dma_start3A_65 = arith.constant 1024 : i32
    %dma_start3A_66 = tpu.memref_slice %arg5[%dma_start3A_65] : memref<6144xf32, #tpu.memory_space<vmem>> -> memref<1024xf32, #tpu.memory_space<vmem>>
    %dma_start3A_67 = tpu.memref_slice %arg3[%mul3A_34] : memref<196608xf32, #tpu.memory_space<hbm>> -> memref<1024xf32, #tpu.memory_space<hbm>>
    %dma_start3A_68 = tpu.memref_slice %arg3[%mul3A_34] : memref<196608xf32, #tpu.memory_space<hbm>> -> memref<1024xf32, #tpu.memory_space<hbm>>
    %dma_start3A_69 = arith.constant 1024 : i32
    %dma_start3A_70 = tpu.memref_slice %arg5[%dma_start3A_69] : memref<6144xf32, #tpu.memory_space<vmem>> -> memref<1024xf32, #tpu.memory_space<vmem>>
    tpu.enqueue_dma source(%dma_start3A_70 : memref<1024xf32, #tpu.memory_space<vmem>>) target(%dma_start3A_68 : memref<1024xf32, #tpu.memory_space<hbm>>) target_semaphore(%arg7 : memref<!tpu.dma_semaphore, #tpu.memory_space<semaphore_mem>>)
    %dma_start3A_71 = arith.constant 2048 : i32
    %dma_start3A_72 = tpu.memref_slice %arg5[%dma_start3A_71] : memref<6144xf32, #tpu.memory_space<vmem>> -> memref<1024xf32, #tpu.memory_space<vmem>>
    %dma_start3A_73 = tpu.memref_slice %arg3[%mul3A_40] : memref<196608xf32, #tpu.memory_space<hbm>> -> memref<1024xf32, #tpu.memory_space<hbm>>
    %dma_start3A_74 = tpu.memref_slice %arg3[%mul3A_40] : memref<196608xf32, #tpu.memory_space<hbm>> -> memref<1024xf32, #tpu.memory_space<hbm>>
    %dma_start3A_75 = arith.constant 2048 : i32
    %dma_start3A_76 = tpu.memref_slice %arg5[%dma_start3A_75] : memref<6144xf32, #tpu.memory_space<vmem>> -> memref<1024xf32, #tpu.memory_space<vmem>>
    tpu.enqueue_dma source(%dma_start3A_76 : memref<1024xf32, #tpu.memory_space<vmem>>) target(%dma_start3A_74 : memref<1024xf32, #tpu.memory_space<hbm>>) target_semaphore(%arg7 : memref<!tpu.dma_semaphore, #tpu.memory_space<semaphore_mem>>)
    %dma_start3A_77 = arith.constant 3072 : i32
    %dma_start3A_78 = tpu.memref_slice %arg5[%dma_start3A_77] : memref<6144xf32, #tpu.memory_space<vmem>> -> memref<1024xf32, #tpu.memory_space<vmem>>
    %dma_start3A_79 = tpu.memref_slice %arg3[%mul3A_46] : memref<196608xf32, #tpu.memory_space<hbm>> -> memref<1024xf32, #tpu.memory_space<hbm>>
    %dma_start3A_80 = tpu.memref_slice %arg3[%mul3A_46] : memref<196608xf32, #tpu.memory_space<hbm>> -> memref<1024xf32, #tpu.memory_space<hbm>>
    %dma_start3A_81 = arith.constant 3072 : i32
    %dma_start3A_82 = tpu.memref_slice %arg5[%dma_start3A_81] : memref<6144xf32, #tpu.memory_space<vmem>> -> memref<1024xf32, #tpu.memory_space<vmem>>
    tpu.enqueue_dma source(%dma_start3A_82 : memref<1024xf32, #tpu.memory_space<vmem>>) target(%dma_start3A_80 : memref<1024xf32, #tpu.memory_space<hbm>>) target_semaphore(%arg7 : memref<!tpu.dma_semaphore, #tpu.memory_space<semaphore_mem>>)
    %dma_start3A_83 = arith.constant 4096 : i32
    %dma_start3A_84 = tpu.memref_slice %arg5[%dma_start3A_83] : memref<6144xf32, #tpu.memory_space<vmem>> -> memref<1024xf32, #tpu.memory_space<vmem>>
    %dma_start3A_85 = tpu.memref_slice %arg3[%mul3A_52] : memref<196608xf32, #tpu.memory_space<hbm>> -> memref<1024xf32, #tpu.memory_space<hbm>>
    %dma_start3A_86 = tpu.memref_slice %arg3[%mul3A_52] : memref<196608xf32, #tpu.memory_space<hbm>> -> memref<1024xf32, #tpu.memory_space<hbm>>
    %dma_start3A_87 = arith.constant 4096 : i32
    %dma_start3A_88 = tpu.memref_slice %arg5[%dma_start3A_87] : memref<6144xf32, #tpu.memory_space<vmem>> -> memref<1024xf32, #tpu.memory_space<vmem>>
    tpu.enqueue_dma source(%dma_start3A_88 : memref<1024xf32, #tpu.memory_space<vmem>>) target(%dma_start3A_86 : memref<1024xf32, #tpu.memory_space<hbm>>) target_semaphore(%arg7 : memref<!tpu.dma_semaphore, #tpu.memory_space<semaphore_mem>>)
    %dma_start3A_89 = arith.constant 5120 : i32
    %dma_start3A_90 = tpu.memref_slice %arg5[%dma_start3A_89] : memref<6144xf32, #tpu.memory_space<vmem>> -> memref<1024xf32, #tpu.memory_space<vmem>>
    %dma_start3A_91 = tpu.memref_slice %arg3[%mul3A_58] : memref<196608xf32, #tpu.memory_space<hbm>> -> memref<1024xf32, #tpu.memory_space<hbm>>
    %dma_start3A_92 = tpu.memref_slice %arg3[%mul3A_58] : memref<196608xf32, #tpu.memory_space<hbm>> -> memref<1024xf32, #tpu.memory_space<hbm>>
    %dma_start3A_93 = arith.constant 5120 : i32
    %dma_start3A_94 = tpu.memref_slice %arg5[%dma_start3A_93] : memref<6144xf32, #tpu.memory_space<vmem>> -> memref<1024xf32, #tpu.memory_space<vmem>>
    tpu.enqueue_dma source(%dma_start3A_94 : memref<1024xf32, #tpu.memory_space<vmem>>) target(%dma_start3A_92 : memref<1024xf32, #tpu.memory_space<hbm>>) target_semaphore(%arg7 : memref<!tpu.dma_semaphore, #tpu.memory_space<semaphore_mem>>)
    %dma_wait3A_95 = arith.constant 0 : i32
    %dma_wait3A_96 = tpu.memref_slice %arg5[%dma_wait3A_95] : memref<6144xf32, #tpu.memory_space<vmem>> -> memref<1024xf32, #tpu.memory_space<vmem>>
    %dma_wait3A_97 = tpu.memref_slice %arg3[%mul3A_28] : memref<196608xf32, #tpu.memory_space<hbm>> -> memref<1024xf32, #tpu.memory_space<hbm>>
    %dma_wait3A_98 = tpu.memref_slice %arg3[%mul3A_28] : memref<196608xf32, #tpu.memory_space<hbm>> -> memref<1024xf32, #tpu.memory_space<hbm>>
    %dma_wait3A_99 = arith.constant 0 : i32
    %dma_wait3A_100 = tpu.memref_slice %arg5[%dma_wait3A_99] : memref<6144xf32, #tpu.memory_space<vmem>> -> memref<1024xf32, #tpu.memory_space<vmem>>
    tpu.wait_dma2 semaphore(%arg7 : memref<!tpu.dma_semaphore, #tpu.memory_space<semaphore_mem>>) src(%dma_wait3A_100 : memref<1024xf32, #tpu.memory_space<vmem>>) dst(%dma_wait3A_98 : memref<1024xf32, #tpu.memory_space<hbm>>)
    %dma_wait3A_101 = arith.constant 1024 : i32
    %dma_wait3A_102 = tpu.memref_slice %arg5[%dma_wait3A_101] : memref<6144xf32, #tpu.memory_space<vmem>> -> memref<1024xf32, #tpu.memory_space<vmem>>
    %dma_wait3A_103 = tpu.memref_slice %arg3[%mul3A_34] : memref<196608xf32, #tpu.memory_space<hbm>> -> memref<1024xf32, #tpu.memory_space<hbm>>
    %dma_wait3A_104 = tpu.memref_slice %arg3[%mul3A_34] : memref<196608xf32, #tpu.memory_space<hbm>> -> memref<1024xf32, #tpu.memory_space<hbm>>
    %dma_wait3A_105 = arith.constant 1024 : i32
    %dma_wait3A_106 = tpu.memref_slice %arg5[%dma_wait3A_105] : memref<6144xf32, #tpu.memory_space<vmem>> -> memref<1024xf32, #tpu.memory_space<vmem>>
    tpu.wait_dma2 semaphore(%arg7 : memref<!tpu.dma_semaphore, #tpu.memory_space<semaphore_mem>>) src(%dma_wait3A_106 : memref<1024xf32, #tpu.memory_space<vmem>>) dst(%dma_wait3A_104 : memref<1024xf32, #tpu.memory_space<hbm>>)
    %dma_wait3A_107 = arith.constant 2048 : i32
    %dma_wait3A_108 = tpu.memref_slice %arg5[%dma_wait3A_107] : memref<6144xf32, #tpu.memory_space<vmem>> -> memref<1024xf32, #tpu.memory_space<vmem>>
    %dma_wait3A_109 = tpu.memref_slice %arg3[%mul3A_40] : memref<196608xf32, #tpu.memory_space<hbm>> -> memref<1024xf32, #tpu.memory_space<hbm>>
    %dma_wait3A_110 = tpu.memref_slice %arg3[%mul3A_40] : memref<196608xf32, #tpu.memory_space<hbm>> -> memref<1024xf32, #tpu.memory_space<hbm>>
    %dma_wait3A_111 = arith.constant 2048 : i32
    %dma_wait3A_112 = tpu.memref_slice %arg5[%dma_wait3A_111] : memref<6144xf32, #tpu.memory_space<vmem>> -> memref<1024xf32, #tpu.memory_space<vmem>>
    tpu.wait_dma2 semaphore(%arg7 : memref<!tpu.dma_semaphore, #tpu.memory_space<semaphore_mem>>) src(%dma_wait3A_112 : memref<1024xf32, #tpu.memory_space<vmem>>) dst(%dma_wait3A_110 : memref<1024xf32, #tpu.memory_space<hbm>>)
    %dma_wait3A_113 = arith.constant 3072 : i32
    %dma_wait3A_114 = tpu.memref_slice %arg5[%dma_wait3A_113] : memref<6144xf32, #tpu.memory_space<vmem>> -> memref<1024xf32, #tpu.memory_space<vmem>>
    %dma_wait3A_115 = tpu.memref_slice %arg3[%mul3A_46] : memref<196608xf32, #tpu.memory_space<hbm>> -> memref<1024xf32, #tpu.memory_space<hbm>>
    %dma_wait3A_116 = tpu.memref_slice %arg3[%mul3A_46] : memref<196608xf32, #tpu.memory_space<hbm>> -> memref<1024xf32, #tpu.memory_space<hbm>>
    %dma_wait3A_117 = arith.constant 3072 : i32
    %dma_wait3A_118 = tpu.memref_slice %arg5[%dma_wait3A_117] : memref<6144xf32, #tpu.memory_space<vmem>> -> memref<1024xf32, #tpu.memory_space<vmem>>
    tpu.wait_dma2 semaphore(%arg7 : memref<!tpu.dma_semaphore, #tpu.memory_space<semaphore_mem>>) src(%dma_wait3A_118 : memref<1024xf32, #tpu.memory_space<vmem>>) dst(%dma_wait3A_116 : memref<1024xf32, #tpu.memory_space<hbm>>)
    %dma_wait3A_119 = arith.constant 4096 : i32
    %dma_wait3A_120 = tpu.memref_slice %arg5[%dma_wait3A_119] : memref<6144xf32, #tpu.memory_space<vmem>> -> memref<1024xf32, #tpu.memory_space<vmem>>
    %dma_wait3A_121 = tpu.memref_slice %arg3[%mul3A_52] : memref<196608xf32, #tpu.memory_space<hbm>> -> memref<1024xf32, #tpu.memory_space<hbm>>
    %dma_wait3A_122 = tpu.memref_slice %arg3[%mul3A_52] : memref<196608xf32, #tpu.memory_space<hbm>> -> memref<1024xf32, #tpu.memory_space<hbm>>
    %dma_wait3A_123 = arith.constant 4096 : i32
    %dma_wait3A_124 = tpu.memref_slice %arg5[%dma_wait3A_123] : memref<6144xf32, #tpu.memory_space<vmem>> -> memref<1024xf32, #tpu.memory_space<vmem>>
    tpu.wait_dma2 semaphore(%arg7 : memref<!tpu.dma_semaphore, #tpu.memory_space<semaphore_mem>>) src(%dma_wait3A_124 : memref<1024xf32, #tpu.memory_space<vmem>>) dst(%dma_wait3A_122 : memref<1024xf32, #tpu.memory_space<hbm>>)
    %dma_wait3A_125 = arith.constant 5120 : i32
    %dma_wait3A_126 = tpu.memref_slice %arg5[%dma_wait3A_125] : memref<6144xf32, #tpu.memory_space<vmem>> -> memref<1024xf32, #tpu.memory_space<vmem>>
    %dma_wait3A_127 = tpu.memref_slice %arg3[%mul3A_58] : memref<196608xf32, #tpu.memory_space<hbm>> -> memref<1024xf32, #tpu.memory_space<hbm>>
    %dma_wait3A_128 = tpu.memref_slice %arg3[%mul3A_58] : memref<196608xf32, #tpu.memory_space<hbm>> -> memref<1024xf32, #tpu.memory_space<hbm>>
    %dma_wait3A_129 = arith.constant 5120 : i32
    %dma_wait3A_130 = tpu.memref_slice %arg5[%dma_wait3A_129] : memref<6144xf32, #tpu.memory_space<vmem>> -> memref<1024xf32, #tpu.memory_space<vmem>>
    tpu.wait_dma2 semaphore(%arg7 : memref<!tpu.dma_semaphore, #tpu.memory_space<semaphore_mem>>) src(%dma_wait3A_130 : memref<1024xf32, #tpu.memory_space<vmem>>) dst(%dma_wait3A_128 : memref<1024xf32, #tpu.memory_space<hbm>>)
    return
  }
}

module attributes {stable_mosaic.version = 14 : i64} {
  func.func @_prep_body(%arg0: memref<655x1024xf32, #tpu.memory_space<vmem>>, %arg1: memref<1024x1024xf32, #tpu.memory_space<vmem>>, %arg2: memref<655x1024xf32, #tpu.memory_space<vmem>>) attributes {dimension_semantics = [], scalar_prefetch = 0 : i64, scratch_operands = 0 : i64, tpu.core_type = #tpu.core_type<tc>} {
    %get3A = arith.constant 0 : index
    %get3A_0 = arith.constant 0 : index
    %get3A_1 = vector.load %arg0[%get3A, %get3A_0] : memref<655x1024xf32, #tpu.memory_space<vmem>>, vector<655x1024xf32>
    %get3A_2 = arith.constant 0 : index
    %get3A_3 = arith.constant 0 : index
    %get3A_4 = vector.load %arg1[%get3A_2, %get3A_3] : memref<1024x1024xf32, #tpu.memory_space<vmem>>, vector<1024x1024xf32>
    %dot_general3A = arith.constant dense<0.000000e+00> : vector<655x1024xf32>
    %dot_general3A_5 = tpu.matmul %get3A_1, %get3A_4, %dot_general3A {dimension_numbers = #tpu.dot_dimension_numbers<[1], [0], [0], [1], [0, 0, 1, 1], [], []>, transpose_lhs_hint = false} : vector<655x1024xf32>, vector<1024x1024xf32>, vector<655x1024xf32> -> vector<655x1024xf32>
    %swap3A = arith.constant 0 : index
    %swap3A_6 = arith.constant 0 : index
    %swap3A_7 = vector.load %arg2[%swap3A, %swap3A_6] : memref<655x1024xf32, #tpu.memory_space<vmem>>, vector<655x1024xf32>
    tpu.vector_store %arg2[%swap3A, %swap3A_6], %dot_general3A_5 {strides = array<i32>} : memref<655x1024xf32, #tpu.memory_space<vmem>>, vector<655x1024xf32>,
    return
  }
}

module attributes {stable_mosaic.version = 14 : i64} {
  func.func @_dense_body(%arg0: memref<1536x128xf32, #tpu.memory_space<vmem>>, %arg1: memref<655x1024xf32, #tpu.memory_space<vmem>>, %arg2: memref<1024xf32, #tpu.memory_space<vmem>>, %arg3: memref<1024xf32, #tpu.memory_space<vmem>>, %arg4: memref<1024xf32, #tpu.memory_space<vmem>>, %arg5: memref<1024x768xf32, #tpu.memory_space<vmem>>, %arg6: memref<768xf32, #tpu.memory_space<vmem>>, %arg7: memref<768x768xf32, #tpu.memory_space<vmem>>, %arg8: memref<768xf32, #tpu.memory_space<vmem>>, %arg9: memref<256x768xf32, #tpu.memory_space<vmem>>) attributes {dimension_semantics = [], scalar_prefetch = 0 : i64, scratch_operands = 0 : i64, tpu.core_type = #tpu.core_type<tc>} {
    %get3A = arith.constant 1280 : index
    %get3A_0 = arith.constant 0 : index
    %get3A_1 = vector.load %arg0[%get3A, %get3A_0] : memref<1536x128xf32, #tpu.memory_space<vmem>>, vector<256x15xf32>
    %get3A_2 = arith.constant 640 : index
    %get3A_3 = arith.constant 0 : index
    %get3A_4 = vector.load %arg1[%get3A_2, %get3A_3] : memref<655x1024xf32, #tpu.memory_space<vmem>>, vector<15x1024xf32>
    %dot_general3A = arith.constant dense<0.000000e+00> : vector<256x1024xf32>
    %dot_general3A_5 = tpu.matmul %get3A_1, %get3A_4, %dot_general3A {dimension_numbers = #tpu.dot_dimension_numbers<[1], [0], [0], [1], [0, 0, 1, 1], [], []>, transpose_lhs_hint = false} : vector<256x15xf32>, vector<15x1024xf32>, vector<256x1024xf32> -> vector<256x1024xf32>
    %get3A_6 = arith.constant 0 : index
    %get3A_7 = arith.constant 0 : index
    %get3A_8 = vector.load %arg0[%get3A_6, %get3A_7] : memref<1536x128xf32, #tpu.memory_space<vmem>>, vector<256x128xf32>
    %get3A_9 = arith.constant 0 : index
    %get3A_10 = arith.constant 0 : index
    %get3A_11 = vector.load %arg1[%get3A_9, %get3A_10] : memref<655x1024xf32, #tpu.memory_space<vmem>>, vector<128x1024xf32>
    %dot_general3A_12 = arith.constant dense<0.000000e+00> : vector<256x1024xf32>
    %dot_general3A_13 = tpu.matmul %get3A_8, %get3A_11, %dot_general3A_12 {dimension_numbers = #tpu.dot_dimension_numbers<[1], [0], [0], [1], [0, 0, 1, 1], [], []>, transpose_lhs_hint = false} : vector<256x128xf32>, vector<128x1024xf32>, vector<256x1024xf32> -> vector<256x1024xf32>
    %add3A = arith.addf %dot_general3A_5, %dot_general3A_13 : vector<256x1024xf32>
    %get3A_14 = arith.constant 256 : index
    %get3A_15 = arith.constant 0 : index
    %get3A_16 = vector.load %arg0[%get3A_14, %get3A_15] : memref<1536x128xf32, #tpu.memory_space<vmem>>, vector<256x128xf32>
    %get3A_17 = arith.constant 128 : index
    %get3A_18 = arith.constant 0 : index
    %get3A_19 = vector.load %arg1[%get3A_17, %get3A_18] : memref<655x1024xf32, #tpu.memory_space<vmem>>, vector<128x1024xf32>
    %dot_general3A_20 = arith.constant dense<0.000000e+00> : vector<256x1024xf32>
    %dot_general3A_21 = tpu.matmul %get3A_16, %get3A_19, %dot_general3A_20 {dimension_numbers = #tpu.dot_dimension_numbers<[1], [0], [0], [1], [0, 0, 1, 1], [], []>, transpose_lhs_hint = false} : vector<256x128xf32>, vector<128x1024xf32>, vector<256x1024xf32> -> vector<256x1024xf32>
    %add3A_22 = arith.addf %add3A, %dot_general3A_21 : vector<256x1024xf32>
    %get3A_23 = arith.constant 512 : index
    %get3A_24 = arith.constant 0 : index
    %get3A_25 = vector.load %arg0[%get3A_23, %get3A_24] : memref<1536x128xf32, #tpu.memory_space<vmem>>, vector<256x128xf32>
    %get3A_26 = arith.constant 256 : index
    %get3A_27 = arith.constant 0 : index
    %get3A_28 = vector.load %arg1[%get3A_26, %get3A_27] : memref<655x1024xf32, #tpu.memory_space<vmem>>, vector<128x1024xf32>
    %dot_general3A_29 = arith.constant dense<0.000000e+00> : vector<256x1024xf32>
    %dot_general3A_30 = tpu.matmul %get3A_25, %get3A_28, %dot_general3A_29 {dimension_numbers = #tpu.dot_dimension_numbers<[1], [0], [0], [1], [0, 0, 1, 1], [], []>, transpose_lhs_hint = false} : vector<256x128xf32>, vector<128x1024xf32>, vector<256x1024xf32> -> vector<256x1024xf32>
    %add3A_31 = arith.addf %add3A_22, %dot_general3A_30 : vector<256x1024xf32>
    %get3A_32 = arith.constant 768 : index
    %get3A_33 = arith.constant 0 : index
    %get3A_34 = vector.load %arg0[%get3A_32, %get3A_33] : memref<1536x128xf32, #tpu.memory_space<vmem>>, vector<256x128xf32>
    %get3A_35 = arith.constant 384 : index
    %get3A_36 = arith.constant 0 : index
    %get3A_37 = vector.load %arg1[%get3A_35, %get3A_36] : memref<655x1024xf32, #tpu.memory_space<vmem>>, vector<128x1024xf32>
    %dot_general3A_38 = arith.constant dense<0.000000e+00> : vector<256x1024xf32>
    %dot_general3A_39 = tpu.matmul %get3A_34, %get3A_37, %dot_general3A_38 {dimension_numbers = #tpu.dot_dimension_numbers<[1], [0], [0], [1], [0, 0, 1, 1], [], []>, transpose_lhs_hint = false} : vector<256x128xf32>, vector<128x1024xf32>, vector<256x1024xf32> -> vector<256x1024xf32>
    %add3A_40 = arith.addf %add3A_31, %dot_general3A_39 : vector<256x1024xf32>
    %get3A_41 = arith.constant 1024 : index
    %get3A_42 = arith.constant 0 : index
    %get3A_43 = vector.load %arg0[%get3A_41, %get3A_42] : memref<1536x128xf32, #tpu.memory_space<vmem>>, vector<256x128xf32>
    %get3A_44 = arith.constant 512 : index
    %get3A_45 = arith.constant 0 : index
    %get3A_46 = vector.load %arg1[%get3A_44, %get3A_45] : memref<655x1024xf32, #tpu.memory_space<vmem>>, vector<128x1024xf32>
    %dot_general3A_47 = arith.constant dense<0.000000e+00> : vector<256x1024xf32>
    %dot_general3A_48 = tpu.matmul %get3A_43, %get3A_46, %dot_general3A_47 {dimension_numbers = #tpu.dot_dimension_numbers<[1], [0], [0], [1], [0, 0, 1, 1], [], []>, transpose_lhs_hint = false} : vector<256x128xf32>, vector<128x1024xf32>, vector<256x1024xf32> -> vector<256x1024xf32>
    %add3A_49 = arith.addf %add3A_40, %dot_general3A_48 : vector<256x1024xf32>
    %mul3A = arith.constant 1.000000e-03 : f32
    %mul3A_50 = vector.broadcast %mul3A : f32 to vector<256x1024xf32>
    %mul3A_51 = arith.mulf %add3A_49, %mul3A_50 : vector<256x1024xf32>
    %get3A_52 = arith.constant 0 : index
    %get3A_53 = vector.load %arg2[%get3A_52] : memref<1024xf32, #tpu.memory_space<vmem>>, vector<1024xf32>
    %broadcast_in_dim3A = vector.shape_cast %get3A_53 : vector<1024xf32> to vector<1x1024xf32>
    %add3A_54 = vector.broadcast %broadcast_in_dim3A : vector<1x1024xf32> to vector<256x1024xf32>
    %add3A_55 = arith.addf %mul3A_51, %add3A_54 : vector<256x1024xf32>
    %reduce_sum3A = arith.constant dense<0.000000e+00> : vector<256xf32>
    %reduce_sum3A_56 = vector.multi_reduction <add>, %add3A_55, %reduce_sum3A [1] : vector<256x1024xf32> to vector<256xf32>
    %broadcast_in_dim3A_57 = vector.shape_cast %reduce_sum3A_56 : vector<256xf32> to vector<256x1xf32>
    %div3A = arith.constant 1.024000e+03 : f32
    %div3A_58 = vector.broadcast %div3A : f32 to vector<256x1xf32>
    %div3A_59 = arith.divf %broadcast_in_dim3A_57, %div3A_58 : vector<256x1xf32>
    %sub3A = vector.broadcast %div3A_59 : vector<256x1xf32> to vector<256x1024xf32>
    %sub3A_60 = arith.subf %add3A_55, %sub3A : vector<256x1024xf32>
    %mul3A_61 = arith.mulf %sub3A_60, %sub3A_60 : vector<256x1024xf32>
    %reduce_sum3A_62 = arith.constant dense<0.000000e+00> : vector<256xf32>
    %reduce_sum3A_63 = vector.multi_reduction <add>, %mul3A_61, %reduce_sum3A_62 [1] : vector<256x1024xf32> to vector<256xf32>
    %broadcast_in_dim3A_64 = vector.shape_cast %reduce_sum3A_63 : vector<256xf32> to vector<256x1xf32>
    %div3A_65 = arith.constant 1.024000e+03 : f32
    %div3A_66 = vector.broadcast %div3A_65 : f32 to vector<256x1xf32>
    %div3A_67 = arith.divf %broadcast_in_dim3A_64, %div3A_66 : vector<256x1xf32>
    %add3A_68 = arith.constant 9.99999974E-6 : f32
    %add3A_69 = vector.broadcast %add3A_68 : f32 to vector<256x1xf32>
    %add3A_70 = arith.addf %div3A_67, %add3A_69 : vector<256x1xf32>
    %rsqrt3A = math.rsqrt %add3A_70 : vector<256x1xf32>
    %mul3A_71 = vector.broadcast %rsqrt3A : vector<256x1xf32> to vector<256x1024xf32>
    %mul3A_72 = arith.mulf %sub3A_60, %mul3A_71 : vector<256x1024xf32>
    %get3A_73 = arith.constant 0 : index
    %get3A_74 = vector.load %arg3[%get3A_73] : memref<1024xf32, #tpu.memory_space<vmem>>, vector<1024xf32>
    %broadcast_in_dim3A_75 = vector.shape_cast %get3A_74 : vector<1024xf32> to vector<1x1024xf32>
    %mul3A_76 = vector.broadcast %broadcast_in_dim3A_75 : vector<1x1024xf32> to vector<256x1024xf32>
    %mul3A_77 = arith.mulf %mul3A_72, %mul3A_76 : vector<256x1024xf32>
    %get3A_78 = arith.constant 0 : index
    %get3A_79 = vector.load %arg4[%get3A_78] : memref<1024xf32, #tpu.memory_space<vmem>>, vector<1024xf32>
    %broadcast_in_dim3A_80 = vector.shape_cast %get3A_79 : vector<1024xf32> to vector<1x1024xf32>
    %add3A_81 = vector.broadcast %broadcast_in_dim3A_80 : vector<1x1024xf32> to vector<256x1024xf32>
    %add3A_82 = arith.addf %mul3A_77, %add3A_81 : vector<256x1024xf32>
    %get3A_83 = arith.constant 0 : index
    %get3A_84 = arith.constant 0 : index
    %get3A_85 = vector.load %arg5[%get3A_83, %get3A_84] : memref<1024x768xf32, #tpu.memory_space<vmem>>, vector<1024x768xf32>
    %dot_general3A_86 = arith.constant dense<0.000000e+00> : vector<256x768xf32>
    %dot_general3A_87 = tpu.matmul %add3A_82, %get3A_85, %dot_general3A_86 {dimension_numbers = #tpu.dot_dimension_numbers<[1], [0], [0], [1], [0, 0, 1, 1], [], []>, transpose_lhs_hint = false} : vector<256x1024xf32>, vector<1024x768xf32>, vector<256x768xf32> -> vector<256x768xf32>
    %get3A_88 = arith.constant 0 : index
    %get3A_89 = vector.load %arg6[%get3A_88] : memref<768xf32, #tpu.memory_space<vmem>>, vector<768xf32>
    %broadcast_in_dim3A_90 = vector.shape_cast %get3A_89 : vector<768xf32> to vector<1x768xf32>
    %add3A_91 = vector.broadcast %broadcast_in_dim3A_90 : vector<1x768xf32> to vector<256x768xf32>
    %add3A_92 = arith.addf %dot_general3A_87, %add3A_91 : vector<256x768xf32>
    %mul3A_93 = arith.constant 5.000000e-01 : f32
    %mul3A_94 = vector.broadcast %mul3A_93 : f32 to vector<256x768xf32>
    %mul3A_95 = arith.mulf %add3A_92, %mul3A_94 : vector<256x768xf32>
    %mul3A_96 = arith.constant 0.707106769 : f32
    %mul3A_97 = vector.broadcast %mul3A_96 : f32 to vector<256x768xf32>
    %mul3A_98 = arith.mulf %add3A_92, %mul3A_97 : vector<256x768xf32>
    %erf3A = math.erf %mul3A_98 : vector<256x768xf32>
    %add3A_99 = arith.constant 1.000000e+00 : f32
    %add3A_100 = vector.broadcast %add3A_99 : f32 to vector<256x768xf32>
    %add3A_101 = arith.addf %add3A_100, %erf3A : vector<256x768xf32>
    %mul3A_102 = arith.mulf %mul3A_95, %add3A_101 : vector<256x768xf32>
    %get3A_103 = arith.constant 0 : index
    %get3A_104 = arith.constant 0 : index
    %get3A_105 = vector.load %arg7[%get3A_103, %get3A_104] : memref<768x768xf32, #tpu.memory_space<vmem>>, vector<768x768xf32>
    %dot_general3A_106 = arith.constant dense<0.000000e+00> : vector<256x768xf32>
    %dot_general3A_107 = tpu.matmul %mul3A_102, %get3A_105, %dot_general3A_106 {dimension_numbers = #tpu.dot_dimension_numbers<[1], [0], [0], [1], [0, 0, 1, 1], [], []>, transpose_lhs_hint = false} : vector<256x768xf32>, vector<768x768xf32>, vector<256x768xf32> -> vector<256x768xf32>
    %get3A_108 = arith.constant 0 : index
    %get3A_109 = vector.load %arg8[%get3A_108] : memref<768xf32, #tpu.memory_space<vmem>>, vector<768xf32>
    %broadcast_in_dim3A_110 = vector.shape_cast %get3A_109 : vector<768xf32> to vector<1x768xf32>
    %add3A_111 = vector.broadcast %broadcast_in_dim3A_110 : vector<1x768xf32> to vector<256x768xf32>
    %add3A_112 = arith.addf %dot_general3A_107, %add3A_111 : vector<256x768xf32>
    %mul3A_113 = arith.constant 5.000000e-01 : f32
    %mul3A_114 = vector.broadcast %mul3A_113 : f32 to vector<256x768xf32>
    %mul3A_115 = arith.mulf %add3A_112, %mul3A_114 : vector<256x768xf32>
    %mul3A_116 = arith.constant 0.707106769 : f32
    %mul3A_117 = vector.broadcast %mul3A_116 : f32 to vector<256x768xf32>
    %mul3A_118 = arith.mulf %add3A_112, %mul3A_117 : vector<256x768xf32>
    %erf3A_119 = math.erf %mul3A_118 : vector<256x768xf32>
    %add3A_120 = arith.constant 1.000000e+00 : f32
    %add3A_121 = vector.broadcast %add3A_120 : f32 to vector<256x768xf32>
    %add3A_122 = arith.addf %add3A_121, %erf3A_119 : vector<256x768xf32>
    %mul3A_123 = arith.mulf %mul3A_115, %add3A_122 : vector<256x768xf32>
    %swap3A = arith.constant 0 : index
    %swap3A_124 = arith.constant 0 : index
    %swap3A_125 = vector.load %arg9[%swap3A, %swap3A_124] : memref<256x768xf32, #tpu.memory_space<vmem>>, vector<256x768xf32>
    tpu.vector_store %arg9[%swap3A, %swap3A_124], %mul3A_123 {strides = array<i32>} : memref<256x768xf32, #tpu.memory_space<vmem>>, vector<256x768xf32>,
    return
  }
}

</mosaic_0001>

<sc_bundles>
// kernel: kernel.5.cloned.1.call-start
scs
__scs_entry_jumppad:
0x0: {  	(pc) =	sbr.rel $0x88, $3  }
0x1: {  	(tag) =	ssettag $0x0;
	lr =	simm.s32 $0x1  }
0x2: {  	[smem:$0x3F97] =	sst lr;
	_ =	strace $0xD0000000  }
0x3: {  	_ = 	snop  }
0x4: {  	_ = 	snop  }
0x5: {  	_ = 	snop  }
0x6: {  	_ = 	snop  }
0x7: {  	_ = 	snop  }
__scs_overlays_trampoline_lowered:
0x8: {  	[smem:$0x3FA6] =	sst s0  }
0x9: {  	[smem:$0x3FA7] =	sst s1  }
0xa: {  	[smem:$0x3FA8] =	sst s2  }
0xb: {  	[smem:$0x3FA9] =	sst s3  }
0xc: {  	[smem:$0x3FAA] =	sst s4  }
0xd: {  	[smem:$0x3FAB] =	sst s5  }
0xe: {  	[smem:$0x3FAC] =	sst s6  }
0xf: {  	[smem:$0x3FAD] =	sst s7  }
0x10: {  	[smem:$0x3FAE] =	sst s8  }
0x11: {  	[smem:$0x3FAF] =	sst s9;
	s0 =	simm.s32 @!p0 $0x0  }
0x12: {  	s1 =	sld [smem:$0x3F95];
	s0 =	simm.s32 @p0 $0x1  }
0x13: {  	[smem:$0x3FB0] =	sst s0;
	s0 =	simm.s32 @!p1 $0x0  }
0x14: {  	s2 =	sld [smem:$0x3F94];
	s0 =	simm.s32 @p1 $0x1  }
0x15: {  	[smem:$0x3FB1] =	sst s0;
	s0 =	simm.s32 @!p2 $0x0  }
0x16: {  	s3 =	sld [smem:$0x3FDB];
	s0 =	simm.s32 @p2 $0x1  }
0x17: {  	s4 =	simm.s32 $0x1BF5;
	[smem:$0x3FB3] =	sst s0  }
0x18: {  	s0 =	sld [smem:$0x3F96];
	_ =	swait.ge [sflag:s4], $0x0  }
0x19: {  	s7 =	sld [smem:$0x3F97]  }
0x1a: {  	s8 =	sadd.s32 $0xFFFFE003, lr  }
0x1b: {  	s9 =	sadd.s32 $0xFFFFFEF7, lr;
	s5 =	simm.s32 $0xFFFFFFFF;
	p2 =	slt.u32 s8, $0xFFFFF086  }
0x1c: {  	p1 =	slt.u32 s9, $0xF7A;
	s5 =	simm.s32 @!p2 $0x0  }
0x1d: {  	s5 =	simm.s32 @p1 $0x1;
	p0 =	seq.s32 s7, s2  }
0x1e: {  	s7 =	smul.u32 @!p0 $0xF7A, s2;
	p2 =	seq.s32 @!p0 s5, $0x0  }
0x1f: {  	s9 =	smul.u32 $0xF7A, s1;
	s8 =	simm.s32 @!p0 $0x1BF5;
	p2 =	por !p2, p0  }
0x20: {  	[sflag:s8] =	ssyncset.s32 @!p0 $0xFFFFF086;
	s6 =	sadd.s32 @!p0 s3, s7;
	s7 =	simm.s32 @!p0 $0x108  }
0x21: {  	s3 =	sadd.s32 s3, s9;
	s6 =	sadd.s32 @!p0 $0x88, s6;
	s7 =	simm.s32 @p2 $0x1082  }
0x22: {  	[simem:s7], [sflag:s8] =	dma.local @!p0 [hbm:s6], $0xF7A  }
0x23: {  	s9 =	sor.u32 $0xD0000000, s2;
	s6 =	simm.s32 $0x108;
	_ =	swait.ge @!p0 [sflag:s8], $0x0  }
0x24: {  	s3 =	sadd.s32 $0x88, s3;
	s6 =	simm.s32 @!p1 $0x1082;
	[sflag:s4] =	ssyncset.s32 $0xFFFFF086  }
0x25: {  	[simem:s6], [sflag:s4] =	dma.local [hbm:s3], $0xF7A  }
0x26: {  	[smem:$0x3F97] =	sst s1;
	(tag) =	ssettag s2;
	_ =	strace s9  }
0x27: {  	s1 =	sld [smem:$0x3FA7]  }
0x28: {  	s2 =	sld [smem:$0x3FA8]  }
0x29: {  	s4 =	sld [smem:$0x3FAA]  }
0x2a: {  	p0 =	seq.s32 s5, $0x0;
	s5 =	sld [smem:$0x3FAB]  }
0x2b: {  	s6 =	sld [smem:$0x3FAC]  }
0x2c: {  	s7 =	sld [smem:$0x3FAD]  }
0x2d: {  	s3 =	simm.s32 $0x108;
	s8 =	sld [smem:$0x3FAE]  }
0x2e: {  	s3 =	simm.s32 @!p0 $0x1082;
	s9 =	sld [smem:$0x3FAF]  }
0x2f: {  	lr =	sadd.s32 s0, s3;
	s0 =	sld [smem:$0x3FA6]  }
0x30: {  	s3 =	sld [smem:$0x3FA9]  }
0x31: {  	[smem:$0x3FB2] =	sst s10  }
0x32: {  	s10 =	sld [smem:$0x3FB0];
	_ =	sdelay $0x3  }
0x33: {  	p0 =	seq.s32 s10, $0x1;
	s10 =	sld [smem:$0x3FB2];
	_ =	sdelay $0x3  }
0x34: {  	[smem:$0x3FB2] =	sst s10  }
0x35: {  	s10 =	sld [smem:$0x3FB1];
	_ =	sdelay $0x3  }
0x36: {  	p1 =	seq.s32 s10, $0x1;
	s10 =	sld [smem:$0x3FB2];
	_ =	sdelay $0x3  }
0x37: {  	[smem:$0x3FB2] =	sst s10  }
0x38: {  	s10 =	sld [smem:$0x3FB3]  }
0x39: {  	_ = 	snop;
	(pc) =	sbr.ind lr, $3  }
0x3a: {  	_ = 	snop  }
0x3b: {  	_ = 	snop  }
0x3c: {  	p2 =	seq.s32 s10, $0x1;
	s10 =	sld [smem:$0x3FB2]  }
0x3d: {  	_ =	shalt  }
0x3e: {  	_ =	shalt  }
0x3f: {  	_ =	shalt  }
0x40: {  	_ =	shalt  }
0x41: {  	_ =	shalt  }
0x42: {  	_ =	shalt  }
0x43: {  	_ =	shalt  }
0x44: {  	_ =	shalt  }
0x45: {  	_ =	shalt  }
0x46: {  	_ =	shalt  }
0x47: {  	_ =	shalt  }
0x48: {  	_ =	shalt  }
0x49: {  	_ =	shalt  }
0x4a: {  	_ =	shalt  }
0x4b: {  	_ =	shalt  }
0x4c: {  	_ =	shalt  }
0x4d: {  	_ =	shalt  }
0x4e: {  	_ =	shalt  }
0x4f: {  	_ =	shalt  }
0x50: {  	_ =	shalt  }
0x51: {  	_ =	shalt  }
0x52: {  	_ =	shalt  }
0x53: {  	_ =	shalt  }
0x54: {  	_ =	shalt  }
0x55: {  	_ =	shalt  }
0x56: {  	_ =	shalt  }
0x57: {  	_ =	shalt  }
0x58: {  	_ =	shalt  }
0x59: {  	_ =	shalt  }
0x5a: {  	_ =	shalt  }
0x5b: {  	_ =	shalt  }
0x5c: {  	_ =	shalt  }
0x5d: {  	_ =	shalt  }
0x5e: {  	_ =	shalt  }
0x5f: {  	_ =	shalt  }
0x60: {  	_ =	shalt  }
0x61: {  	_ =	shalt  }
0x62: {  	_ =	shalt  }
0x63: {  	_ =	shalt  }
0x64: {  	_ =	shalt  }
0x65: {  	_ =	shalt  }
0x66: {  	_ =	shalt  }
0x67: {  	_ =	shalt  }
0x68: {  	_ =	shalt  }
0x69: {  	_ =	shalt  }
0x6a: {  	_ =	shalt  }
0x6b: {  	_ =	shalt  }
0x6c: {  	_ =	shalt  }
0x6d: {  	_ =	shalt  }
0x6e: {  	_ =	shalt  }
0x6f: {  	_ =	shalt  }
0x70: {  	_ =	shalt  }
0x71: {  	_ =	shalt  }
0x72: {  	_ =	shalt  }
0x73: {  	_ =	shalt  }
0x74: {  	_ =	shalt  }
0x75: {  	_ =	shalt  }
0x76: {  	_ =	shalt  }
0x77: {  	_ =	shalt  }
0x78: {  	_ =	shalt  }
0x79: {  	_ =	shalt  }
0x7a: {  	_ =	shalt  }
0x7b: {  	_ =	shalt  }
0x7c: {  	_ =	shalt  }
0x7d: {  	_ =	shalt  }
0x7e: {  	_ =	shalt  }
0x7f: {  	_ =	shalt  }
0x80: {  	_ =	shalt  }
0x81: {  	_ =	shalt  }
0x82: {  	_ =	shalt  }
0x83: {  	_ =	shalt  }
0x84: {  	_ =	shalt  }
0x85: {  	_ =	shalt  }
0x86: {  	_ =	shalt  }
0x87: {  	_ =	shalt  }
.Lfunc_end0:
.L_simem_size_0:
called_computation_lowered:
.L_overlay_start_0:
0x88: {  	s2 =	sld [smem:$0x3FD9]  }
0x89: {  	s3 =	sld [smem:$0x3FFE];
	_ =	sdelay $0x1  }
0x8a: {  	s1 =	srdreg.scid  }
0x8b: {  	s0 =	sand.u32 $0x1, s1  }
0x8c: {  	s17 =	sshll.u32 s0, $0xA;
	s2 =	sadd.s32 s3, s2  }
0x8d: {  	s2 =	sadd.s32 s2, s17  }
0x8e: {  	[smem:$0x3FBE] =	sst s2  }
0x8f: {  	_ = 	snop  }
0x90: {  	s2 =	sld [smem:$0x3FD0];
	(tm) =	ssettm $0x1  }
0x91: {  	s18 =	sld [smem:$0x3FFB];
	_ =	sdelay $0x3  }
0x92: {  	_ =	strace s18  }
0x93: {  	s3 =	sld [smem:$0x3FFC];
	_ =	sdelay $0x3  }
0x94: {  	_ =	strace s3  }
0x95: {  	s3 =	sld [smem:$0x3FFD];
	_ =	sdelay $0x3  }
0x96: {  	_ =	strace s3  }
0x97: {  	_ =	strace $0x8FFFFFFF  }
0x98: {  	s19 =	sld [smem:$0x3FDB];
	_ =	sdelay $0x1  }
0x99: {  	s4 =	simm.s32 $_scs_section_size  }
0x9a: {  	s5 =	simm.s32 $_size__tile_overlayer_lowered;
	s6 =	simm.s32 $_tile_overlayer_lowered  }
0x9b: {  	s22 =	simm.s32 $0x1BFF;
	s21 =	sshll.u32 s6, $0x1;
	s3 =	sadd.s32 s4, s19  }
0x9c: {  	s7 =	simm.s32 $0x0;
	s20 =	sshll.u32 s5, $0x1;
	s5 =	sadd.s32 s21, s3  }
0x9d: {  	[timem:s7], [sflag:s22] =	dma.local [hbm:s5], s20  }
0x9e: {  	_ =	swait.ge [sflag:s22], s20  }
0x9f: {  	s4 =	ssub.s32 $0x0, s20;
	[sflag:s22] =	ssyncset.done $0x0  }
0xa0: {  	[sflag:s22] =	ssyncadd.s32 s4;
	_ =	sdelay $0x1  }
0xa1: {  	s23 =	simm.s32 $0x1B8B  }
0xa2: {  	_ =	swait.ge [sflag:s23], $0x1  }
0xa3: {  	[sflag:s23] =	ssyncset.done $0x0  }
0xa4: {  	s25 =	simm.s32 $0x1B8E;
	s24 =	sld [smem:$0x3FFE];
	[sflag:s23] =	ssyncadd.s32 $0xFFFFFFFF  }
0xa5: {  	s26 =	simm.s32 $execute0_lowered;
	[smem:$0x3FD2] =	sst s25  }
0xa6: {  	s5 =	sshll.u32 s26, $0x1;
	_ =	strace $0x80000046;
	[dreg:$0x1] =	wrdreg $0xFFFFFFFF  }
0xa7: {  	s28 =	simm.s32 $_size_execute0_lowered;
	s3 =	sadd.s32 s3, s5;
	[dreg:$0x0] =	wrdreg $0x0  }
0xa8: {  	s5 =	sshll.u32 s28, $0x1;
	[dreg:$0x2] =	wrdreg s3  }
0xa9: {  	[dreg:$0x3] =	wrdreg s5  }
0xaa: {  	[dreg:$0x4] =	wrdreg $0xC0  }
0xab: {  	_ =	task [dreg:s7], $0x5FFFF  }
0xac: {  	[dreg:$0x1] =	wrdreg $0xFFFFFFFF  }
0xad: {  	[dreg:$0x0] =	wrdreg $0x60  }
0xae: {  	[dreg:$0x2] =	wrdreg s24  }
0xaf: {  	[dreg:$0x3] =	wrdreg s2  }
0xb0: {  	[dreg:$0x4] =	wrdreg $0x9  }
0xb1: {  	_ =	task.clear_ibuf [dreg:s7], $0x5FFFF;
	_ =	strace $0x90000046  }
0xb2: {  	s29 =	simm.s32 $0x9;
	_ =	strace $0x80000048  }
0xb3: {  	_ =	swait.ge [sflag:s29], $0x1  }
0xb4: {  	[sflag:s29] =	ssyncadd.s32 $0xFFFFFFFF  }
0xb5: {  	_ =	strace $0x90000048  }
0xb6: {  	_ =	sfence  }
0xb7: {  	s30 =	sld [smem:$0x0];
	_ =	sdelay $0x2  }
0xb8: {  	s31 =	sshll.u32 s1, $0xD;
	s1 =	sshrl.u32 s1, $0x2  }
0xb9: {  	s3 =	sand.u32 $0x4000, s31;
	s1 =	sadd.s32 s1, s30  }
0xba: {  	s0 =	sor.u32 s3, s0;
	s1 =	sshll.u32 s1, $0x11  }
0xbb: {  	s0 =	sor.u32 s1, s0  }
0xbc: {  	s0 =	sadd.s32 $0x8F2B, s0  }
0xbd: {  	[sflag:s0] =	ssyncadd.remote.s32 $0x1  }
0xbe: {  	_ =	sfence.sel $0xFFFF  }
0xbf: {  	[dreg:$0x0] =	wrdreg $0xFFFFFFFF;
	(pc) =	sbr.abs _section_cstart, $3  }
0xc0: {  	[dreg:$0x1] =	wrdreg $0xFFFFFFFF  }
0xc1: {  	_ =	task.clear_ibuf [dreg:s7], $0x2FFFF;
	_ =	strace $0x9FFFFFFF  }
0xc2: {  	(tm) =	ssettm $0x7FFFFFFF  }
0xc3: {  	_ =	shalt  }
tec
execute0_lowered:
.L_overlay_start_1:
0x0: {  	(tag) =	ssettag $0x1  }
0x1: {  	s3 =	rddreg [dreg:$0x0]  }
0x2: {  	s4 =	rddreg [dreg:$0x1]  }
0x3: {  	s0 =	rddreg [dreg:$0x2];
	s5 =	srdreg.scid  }
0x4: {  	s1 =	stileid.u32;
	s2 =	simm.s32 $0x0;
	s11 =	simm.s32 $0x1  }
0x5: {  	s12 =	simm.s32 $0x2000;
	s13 =	simm.s32 $0x2400;
	s14 =	simm.s32 $0x2800  }
0x6: {  	s15 =	simm.s32 $0x2C00;
	s16 =	simm.s32 $0x3000;
	s17 =	simm.s32 $0x3400  }
0x7: {  	s18 =	simm.s32 $0x2;
	s5 =	sand.u32 $0x1, s5;
	s6 =	sshll.u32 s1, $0x1  }
0x8: {  	s19 =	simm.s32 $0x0;
	[smem:$0x7FF] =	sst s2;
	s6 =	sor.u32 s5, s6  }
0x9: {  	_ =	strace $0x80000047;
	s5 =	ssub.s32 $0x2, s5;
	s7 =	sshll.u32 s6, $0xA  }
0xa: {  	s31 =	sshrl.u32 s5, $0x1;
	s6 =	sshll.u32 s6, $0x7;
	s3 =	sadd.s32 s7, s3  }
0xb: {  	s10 =	ssub.s32 s5, s31;
	s4 =	sadd.s32 s4, s6;
	s3 =	sadd.s32 $0x1800, s3  }
0xc: {  	s5 =	sadd.s32 $0x1000, s4;
	s6 =	sadd.s32 $0x2000, s4;
	s7 =	sadd.s32 $0x3000, s4  }
0xd: {  	v0 =	vimm.f32 $0.0e+00;
	v1 =	vimm.f32 $1.000000000e+00;
	vm0 =	vcmask $0x3F20;
	s8 =	sadd.s32 $0x4000, s4;
	s9 =	sadd.s32 $0x5000, s4;
	s10 =	smax.u32 s10, $0x1  }
.LBB2_1:
0xe: {  	[tilespmem:s2], [sflag:$0x1] =	stream.linear.gather [hbm4b:s3+s2], $0x2000, $0x38;
	[tilespmem:$0x3800] =	vst v63  }
0xf: {  	s20 =	simm.s32 $0x2020  }
0x10: {  	[tilespmem:s20+$0xFFFFFFE0] =	vst v0  }
0x11: {  	[tilespmem:s20+$0x10] =	vst v0  }
0x12: {  	s21 =	simm.s32 $0x0;
	[tilespmem:s20+$0x0] =	vst v0  }
.LBB2_2:
0x13: {  	s21 =	sadd.s32 $0x4, s21  }
0x14: {  	[tilespmem:s20+$0xFFFFFFF0] =	vst v0;
	s20 =	sadd.s32 $0x40, s20;
	p0 =	slt.u32 s21, $0x17C  }
.Ltmp0:
0x15: {  	[tilespmem:s20+$0xFFFFFFE0] =	vst v0;
	(pc) =	sbr.rel @p0 .LBB2_2-.Ltmp0, $3  }
0x16: {  	_ =	sdelay $0x1  }
0x17: {  	[tilespmem:s20+$0x10] =	vst v0  }
0x18: {  	[tilespmem:s20+$0x0] =	vst v0  }
0x19: {  	[tilespmem:s20+$0xFFFFFFF0] =	vst v0  }
0x1a: {  	_ =	swait.ge [sflag:s11], $0x2000  }
0x1b: {  	[sflag:s11] =	ssyncset.done $0x0  }
0x1c: {  	s20 =	simm.s32 $0x0;
	s21 =	simm.s32 $0x40;
	[sflag:s11] =	ssyncadd.s32 $0xFFFFE000  }
.LBB2_4:
0x1d: {  	v3 =	vmov s21;
	_ =	sdelay $0x3  }
0x1e: {  	s23 =	simm.s32 $0x0  }
0x1f: {  	v4 =	vld.idx.msk [tilespmem:v3+s23+$0xFFFFFFC0 ss:$0x1], $0xffff  }
0x20: {  	v5 =	vld.idx.msk [tilespmem:v3+s23+$0xFFFFFFD0 ss:$0x1], $0xffff  }
0x21: {  	v6 =	vld.idx.msk [tilespmem:v3+s23+$0xFFFFFFE0 ss:$0x1], $0xffff;
	_ =	sdelay $0x1  }
0x22: {  	s22 =	sshll.u32 s20, $0x7;
	v7 =	vld.idx.msk [tilespmem:v3+s23+$0xFFFFFFF0 ss:$0x1], $0xffff  }
0x23: {  	v2 =	vmov s22;
	v12 =	vld.idx.msk [tilespmem:v3+s23+$0x0 ss:$0x1], $0xffff  }
0x24: {  	v15 =	vld.idx.msk [tilespmem:v3+s23+$0x10 ss:$0x1], $0xffff;
	v8 =	vshrl.u32 v4, $0x7;
	v9 =	vadd.s32 v2, v4;
	v4 =	vand.u32 $0x7F, v4  }
0x25: {  	v10 =	vshrl.u32 v5, $0x7;
	v11 =	vand.u32 $0x7F, v5;
	v13 =	vshrl.u32 v6, $0x7  }
0x26: {  	v14 =	vand.u32 $0x7F, v6;
	v5 =	vadd.s32 v2, v5;
	v8 =	vmul.u32 $0x380, v8  }
0x27: {  	v6 =	vadd.s32 v2, v6;
	v16 =	vshrl.u32 v7, $0x7;
	v10 =	vmul.u32 $0x380, v10  }
0x28: {  	v57 =	vshrl.u32 v12, $0x7;
	v58 =	vadd.s32 v2, v12;
	v8 =	vadd.s32 v8, v9  }
0x29: {  	v18 =	vshrl.u32 v15, $0x7;
	v5 =	vadd.s32 v10, v5;
	v10 =	vld.idx.msk [tilespmem:v3+s23+$0x20 ss:$0x1], $0xffff;
	v8 =	vand.u32 $0xFFFFFF80, v8  }
0x2a: {  	v59 =	vadd.s32 v2, v15;
	v61 =	vmul.u32 $0x380, v18;
	v17 =	vor.u32 v4, v8  }
0x2b: {  	v4 =	vand.u32 $0xFFFFFF80, v5;
	v5 =	vmul.u32 $0x380, v13;
	v8 =	vmul.u32 $0x380, v16  }
0x2c: {  	v9 =	vadd.s32 v2, v7;
	v7 =	vand.u32 $0x7F, v7;
	v11 =	vor.u32 v11, v4;
	v4 =	vld.idx.msk [tilespmem:v3+s23+$0x30 ss:$0x1], $0xffff  }
0x2d: {  	v8 =	vadd.s32 v8, v9;
	v9 =	vmul.u32 $0x380, v57;
	v6 =	vadd.s32 v5, v6  }
0x2e: {  	v5 =	vand.u32 $0xFFFFFF80, v8;
	v19 =	vadd.s32 v2, v10;
	v8 =	vand.u32 $0x7F, v12  }
0x2f: {  	v6 =	vand.u32 $0xFFFFFF80, v6;
	v5 =	vor.u32 v7, v5;
	v7 =	vshrl.u32 v10, $0x7  }
0x30: {  	v9 =	vadd.s32 v9, v58;
	v60 =	vmul.u32 $0x380, v7;
	v7 =	vor.u32 v14, v6  }
0x31: {  	v63 =	vand.u32 $0x7F, v10;
	v6 =	vand.u32 $0xFFFFFF80, v9;
	v9 =	vshrl.u32 v4, $0x7  }
0x32: {  	[tilespmem:v17+s12+$0x0] =	vst.idx.add.f32.msk $0xffff, v1;
	v6 =	vor.u32 v8, v6;
	v12 =	vadd.s32 v60, v19;
	v9 =	vmul.u32 $0x380, v9  }
0x33: {  	v8 =	vand.u32 $0x7F, v15;
	[tilespmem:v11+s12+$0x0] =	vst.idx.add.f32.msk $0xffff, v1;
	v62 =	vadd.s32 v2, v4;
	v12 =	vand.u32 $0xFFFFFF80, v12  }
0x34: {  	s23 =	simm.s32 $0x1000;
	v11 =	vadd.s32 v61, v59;
	v10 =	vadd.s32 v9, v62;
	v9 =	vor.u32 v63, v12  }
.LBB2_5:
0x35: {  	p0 =	sne.s32 s23, $0x6000;
	[tilespmem:v7+s12+$0x0] =	vst.idx.add.f32.msk $0xffff, v1;
	v7 =	vand.u32 $0xFFFFFF80, v11;
	v10 =	vand.u32 $0xFFFFFF80, v10;
	v4 =	vand.u32 $0x7F, v4;
	s24 =	smov.u32 s23;
	s23 =	sadd.s32 $0x1000, s23  }
0x36: {  	[tilespmem:v5+s12+$0x0] =	vst.idx.add.f32.msk $0xffff, v1;
	v5 =	vor.u32 v8, v7;
	v4 =	vor.u32 v4, v10  }
0x37: {  	[tilespmem:v6+s12+$0x0] =	vst.idx.add.f32.msk $0xffff, v1;
	_ =	sdelay $0x3  }
0x38: {  	[tilespmem:v5+s12+$0x0] =	vst.idx.add.f32.msk $0xffff, v1  }
0x39: {  	[tilespmem:v9+s12+$0x0] =	vst.idx.add.f32.msk $0xffff, v1  }
0x3a: {  	s24 =	sshra.s32 s24, $0x2;
	[tilespmem:v4+s12+$0x0] =	vst.idx.add.f32.msk $0xffff, v1  }
0x3b: {  	v4 =	vld.idx.msk [tilespmem:v3+s24+$0xFFFFFFC0 ss:$0x1], $0xffff  }
0x3c: {  	v5 =	vld.idx.msk [tilespmem:v3+s24+$0xFFFFFFD0 ss:$0x1], $0xffff  }
0x3d: {  	v6 =	vld.idx.msk [tilespmem:v3+s24+$0xFFFFFFE0 ss:$0x1], $0xffff  }
0x3e: {  	v7 =	vld.idx.msk [tilespmem:v3+s24+$0xFFFFFFF0 ss:$0x1], $0xffff;
	_ =	sdelay $0x2  }
0x3f: {  	v9 =	vshrl.u32 v4, $0x7;
	v10 =	vadd.s32 v2, v4;
	v4 =	vand.u32 $0x7F, v4;
	v8 =	vld.idx.msk [tilespmem:v3+s24+$0x0 ss:$0x1], $0xffff  }
0x40: {  	v9 =	vmul.u32 $0x380, v9;
	v11 =	vshrl.u32 v5, $0x7;
	v12 =	vand.u32 $0x7F, v5  }
0x41: {  	v11 =	vmul.u32 $0x380, v11;
	v14 =	vshrl.u32 v6, $0x7;
	v15 =	vand.u32 $0x7F, v6;
	v13 =	vld.idx.msk [tilespmem:v3+s24+$0x10 ss:$0x1], $0xffff  }
0x42: {  	v5 =	vadd.s32 v2, v5;
	v6 =	vadd.s32 v2, v6;
	v9 =	vadd.s32 v9, v10  }
0x43: {  	v5 =	vadd.s32 v11, v5;
	v11 =	vadd.s32 v2, v7;
	v9 =	vand.u32 $0xFFFFFF80, v9;
	v10 =	vld.idx.msk [tilespmem:v3+s24+$0x20 ss:$0x1], $0xffff  }
0x44: {  	v16 =	vshrl.u32 v7, $0x7;
	v9 =	vor.u32 v4, v9;
	v4 =	vand.u32 $0xFFFFFF80, v5  }
0x45: {  	v5 =	vmul.u32 $0x380, v14;
	v14 =	vmul.u32 $0x380, v16;
	v12 =	vor.u32 v12, v4  }
0x46: {  	v7 =	vand.u32 $0x7F, v7;
	v16 =	vshrl.u32 v8, $0x7;
	v17 =	vadd.s32 v2, v8;
	v4 =	vld.idx.msk [tilespmem:v3+s24+$0x30 ss:$0x1], $0xffff  }
0x47: {  	v11 =	vadd.s32 v14, v11;
	v14 =	vmul.u32 $0x380, v16;
	v16 =	vadd.s32 v2, v13  }
0x48: {  	v6 =	vadd.s32 v5, v6;
	v18 =	vshrl.u32 v13, $0x7;
	v5 =	vand.u32 $0xFFFFFF80, v11  }
0x49: {  	v8 =	vand.u32 $0x7F, v8;
	v5 =	vor.u32 v7, v5;
	v11 =	vadd.s32 v2, v10;
	[tilespmem:v9+s12+$0x0] =	vst.idx.add.f32.msk $0xffff, v1  }
0x4a: {  	v6 =	vand.u32 $0xFFFFFF80, v6;
	v7 =	vshrl.u32 v10, $0x7;
	v9 =	vadd.s32 v14, v17;
	[tilespmem:v12+s12+$0x0] =	vst.idx.add.f32.msk $0xffff, v1  }
.Ltmp1:
0x4b: {  	v12 =	vmul.u32 $0x380, v7;
	v7 =	vor.u32 v15, v6;
	v6 =	vand.u32 $0xFFFFFF80, v9;
	(pc) =	sbr.rel @p0 .LBB2_5-.Ltmp1, $4  }
0x4c: {  	v9 =	vshrl.u32 v4, $0x7;
	v6 =	vor.u32 v8, v6;
	v8 =	vand.u32 $0x7F, v13  }
0x4d: {  	v13 =	vmul.u32 $0x380, v18;
	v11 =	vadd.s32 v12, v11;
	v9 =	vmul.u32 $0x380, v9  }
0x4e: {  	v15 =	vand.u32 $0x7F, v10;
	v12 =	vadd.s32 v2, v4;
	v14 =	vand.u32 $0xFFFFFF80, v11  }
0x4f: {  	v11 =	vadd.s32 v13, v16;
	v10 =	vadd.s32 v9, v12;
	v9 =	vor.u32 v15, v14  }
0x50: {  	_ = 	snop  }
0x51: {  	v3 =	vand.u32 $0xFFFFFF80, v11  }
0x52: {  	v3 =	vor.u32 v8, v3  }
0x53: {  	v49 =	vand.u32 $0xFFFFFF80, v10;
	v4 =	vand.u32 $0x7F, v4  }
0x54: {  	[tilespmem:v7+s12+$0x0] =	vst.idx.add.f32.msk $0xffff, v1;
	v4 =	vor.u32 v4, v49  }
0x55: {  	[tilespmem:v5+s12+$0x0] =	vst.idx.add.f32.msk $0xffff, v1  }
0x56: {  	[tilespmem:v6+s12+$0x0] =	vst.idx.add.f32.msk $0xffff, v1  }
0x57: {  	[tilespmem:v3+s12+$0x0] =	vst.idx.add.f32.msk $0xffff, v1  }
0x58: {  	[tilespmem:v9+s12+$0x0] =	vst.idx.add.f32.msk $0xffff, v1  }
0x59: {  	[tilespmem:v4+s12+$0x0] =	vst.idx.add.f32.msk $0xffff, v1  }
0x5a: {  	v3 =	vld [tilespmem:s22+$0x1C00]  }
0x5b: {  	v4 =	vld [tilespmem:s22+$0x1C10]  }
0x5c: {  	v5 =	vld [tilespmem:s22+$0x1C20]  }
0x5d: {  	v6 =	vld [tilespmem:s22+$0x1C30]  }
0x5e: {  	v51 =	vld [tilespmem:s22+$0x1C40]  }
0x5f: {  	v9 =	vld [tilespmem:s22+$0x1C50]  }
0x60: {  	v53 =	vld [tilespmem:s22+$0x1C58];
	_ =	sdelay $0x1  }
0x61: {  	v50 =	vshrl.u32 v3, $0x7;
	v52 =	vadd.s32 v2, v3;
	v54 =	vshrl.u32 v4, $0x7  }
0x62: {  	v12 =	vshrl.u32 v5, $0x7;
	v13 =	vshrl.u32 v6, $0x7;
	v14 =	vadd.s32 v2, v4  }
0x63: {  	v15 =	vadd.s32 v2, v5;
	v55 =	vadd.s32 v2, v6;
	v56 =	vshrl.u32 v51, $0x7  }
0x64: {  	v57 =	vshrl.u32 v9, $0x7;
	v16 =	vshrl.u32 v53, $0x7;
	v17 =	vadd.s32 v2, v51  }
0x65: {  	v18 =	vadd.s32 v2, v9;
	v2 =	vadd.s32 v2, v53;
	v3 =	vand.u32 $0x7F, v3  }
0x66: {  	v4 =	vand.u32 $0x7F, v4;
	v5 =	vand.u32 $0x7F, v5;
	v6 =	vand.u32 $0x7F, v6  }
0x67: {  	v8 =	vand.u32 $0x7F, v51;
	v7 =	vmul.u32 $0x380, v50;
	v10 =	vmul.u32 $0x380, v54  }
0x68: {  	v9 =	vand.u32 $0x7F, v9;
	v12 =	vmul.u32 $0x380, v12;
	v13 =	vmul.u32 $0x380, v13  }
0x69: {  	v16 =	vmul.u32 $0x380, v16;
	v7 =	vadd.s32 v7, v52;
	v10 =	vadd.s32 v10, v14  }
0x6a: {  	v12 =	vadd.s32 v12, v15;
	v13 =	vadd.s32 v13, v55;
	v7 =	vand.u32 $0xFFFFFF80, v7  }
0x6b: {  	v14 =	vmul.u32 $0x380, v56;
	v58 =	vand.u32 $0xFFFFFF80, v10;
	v3 =	vor.u32 v3, v7  }
0x6c: {  	v15 =	vmul.u32 $0x380, v57;
	v59 =	vand.u32 $0xFFFFFF80, v12;
	v4 =	vor.u32 v4, v58  }
0x6d: {  	v60 =	vand.u32 $0xFFFFFF80, v13;
	v14 =	vadd.s32 v14, v17;
	v5 =	vor.u32 v5, v59  }
0x6e: {  	v15 =	vadd.s32 v15, v18;
	v6 =	vor.u32 v6, v60;
	v61 =	vand.u32 $0xFFFFFF80, v14  }
0x6f: {  	v2 =	vadd.s32 v16, v2;
	v62 =	vand.u32 $0xFFFFFF80, v15;
	v7 =	vor.u32 v8, v61  }
0x70: {  	s20 =	sadd.s32 $0x1, s20;
	v63 =	vand.u32 $0x7F, v53;
	v2 =	vand.u32 $0xFFFFFF80, v2;
	[tilespmem:v3+s12+$0x0] =	vst.idx.add.f32.msk $0xffff, v1;
	v3 =	vor.u32 v9, v62  }
0x71: {  	p0 =	sne.s32 s20, $0x8;
	v2 =	vor.u32 v63, v2;
	[tilespmem:v4+s12+$0x0] =	vst.idx.add.f32.msk $0xffff, v1  }
.Ltmp2:
0x72: {  	[tilespmem:v5+s12+$0x0] =	vst.idx.add.f32.msk $0xffff, v1;
	(pc) =	sbr.rel @p0 .LBB2_4-.Ltmp2, $4  }
0x73: {  	[tilespmem:v6+s12+$0x0] =	vst.idx.add.f32.msk $0xffff, v1  }
0x74: {  	[tilespmem:v7+s12+$0x0] =	vst.idx.add.f32.msk $0xffff, v1  }
0x75: {  	[tilespmem:v3+s12+$0x0] =	vst.idx.add.f32.msk $0xffff, v1  }
0x76: {  	s21 =	sadd.s32 $0x80, s21;
	[tilespmem:v2+s12+$0x0] =	vst.idx.add.f32.msk vm0, v1  }
0x77: {  	[hbm4b:s4+s2] =	stream.linear.scatter [tilespmem:s12], [sflag:$0x2], $0x400, $0x38;
	[tilespmem:$0x3800] =	vst v63  }
0x78: {  	_ = 	snop  }
0x79: {  	[hbm4b:s5+s2] =	stream.linear.scatter [tilespmem:s13], [sflag:$0x2], $0x400, $0x38;
	[tilespmem:$0x3800] =	vst v63  }
0x7a: {  	_ = 	snop  }
0x7b: {  	[hbm4b:s6+s2] =	stream.linear.scatter [tilespmem:s14], [sflag:$0x2], $0x400, $0x38;
	[tilespmem:$0x3800] =	vst v63  }
0x7c: {  	_ = 	snop  }
0x7d: {  	[hbm4b:s7+s2] =	stream.linear.scatter [tilespmem:s15], [sflag:$0x2], $0x400, $0x38;
	[tilespmem:$0x3800] =	vst v63  }
0x7e: {  	_ = 	snop  }
0x7f: {  	[hbm4b:s8+s2] =	stream.linear.scatter [tilespmem:s16], [sflag:$0x2], $0x400, $0x38;
	[tilespmem:$0x3800] =	vst v63  }
0x80: {  	_ = 	snop  }
0x81: {  	[hbm4b:s9+s2] =	stream.linear.scatter [tilespmem:s17], [sflag:$0x2], $0x400, $0x38;
	[tilespmem:$0x3800] =	vst v63  }
0x82: {  	_ =	swait.ge [sflag:s18], $0x400  }
0x83: {  	[sflag:s18] =	ssyncset.done $0x0  }
0x84: {  	[sflag:s18] =	ssyncadd.s32 $0xFFFFFC00  }
0x85: {  	_ =	swait.ge [sflag:s18], $0x400  }
0x86: {  	[sflag:s18] =	ssyncset.done $0x0  }
0x87: {  	[sflag:s18] =	ssyncadd.s32 $0xFFFFFC00  }
0x88: {  	_ =	swait.ge [sflag:s18], $0x400  }
0x89: {  	[sflag:s18] =	ssyncset.done $0x0  }
0x8a: {  	[sflag:s18] =	ssyncadd.s32 $0xFFFFFC00  }
0x8b: {  	_ =	swait.ge [sflag:s18], $0x400  }
0x8c: {  	[sflag:s18] =	ssyncset.done $0x0  }
0x8d: {  	s19 =	sadd.s32 $0x1, s19;
	[sflag:s18] =	ssyncadd.s32 $0xFFFFFC00  }
0x8e: {  	p0 =	sne.s32 s19, s10;
	_ =	swait.ge [sflag:s18], $0x400  }
.Ltmp3:
0x8f: {  	[sflag:s18] =	ssyncset.done $0x0;
	(pc) =	sbr.rel @p0 .LBB2_1-.Ltmp3, $4  }
0x90: {  	[sflag:s18] =	ssyncadd.s32 $0xFFFFFC00  }
0x91: {  	_ =	swait.ge [sflag:s18], $0x400  }
0x92: {  	[sflag:s18] =	ssyncset.done $0x0  }
0x93: {  	[sflag:s18] =	ssyncadd.s32 $0xFFFFFC00  }
0x94: {  	_ =	sfence.sel $0x180000  }
0x95: {  	[bflag:$0x0] =	sbarrier.arrive $0xFFFF  }
0x96: {  	p0 =	sne.s32 s1, $0x0;
	_ =	strace $0x90000047  }
0x97: {  	s0 =	sadd.s32 @!p0 $0x100000, s0;
	[bflag:$0x2] =	sbarrier.arrive $0xFFFF  }
0x98: {  	[sflag:s0] =	ssyncadd.tile.s32 @!p0 $0x1;
	_ =	shalt  }
.Lfunc_end2:
_tile_overlayer_lowered:
.L_overlay_start_2:
0x99: {  	(tag) =	ssettag $0x2  }
0x9a: {  	s0 =	rddreg [dreg:$0x0];
	s2 =	stileid.u32  }
0x9b: {  	s1 =	rddreg [dreg:$0x1];
	p0 =	sne.s32 s2, $0x0  }
0x9c: {  	s3 =	rddreg [dreg:$0x2];
	[bflag:$0x3] =	sbarrier.arrive $0xFFFF;
	s2 =	simm.s32 @!p0 $0x1C03  }
0x9d: {  	[timem:s3], [sflag:s2] =	dma.local @!p0 [hbm:s0], s1  }
0x9e: {  	s0 =	simm.s32 @!p0 $0x3  }
0x9f: {  	_ =	swait.ge @!p0 [sflag:s0], s1  }
0xa0: {  	s1 =	ssub.s32 @!p0 $0x0, s1;
	[sflag:s0] =	ssyncset.done @!p0 $0x0  }
0xa1: {  	[sflag:s0] =	ssyncadd.s32 @!p0 s1  }
0xa2: {  	[bflag:$0x3] =	sbarrier.arrive $0xFFFF  }
0xa3: {  	_ =	shalt  }

</sc_bundles>
